<compile_context>
chip_gen: v7x
topology: tpu7x:2x2x1
jax: 0.10.2.dev20260603
libtpu: 0.0.44.dev20260713+nightly
codegen_flags: <defaults>
</compile_context>

<pallas_src>
import jax
import jax.numpy as jnp
from jax import lax
from jax.experimental import pallas as pl
from jax.experimental.pallas import tpu as pltpu
from jax.experimental.pallas import tpu_sc as plsc

N = 10000
D = 256
H = 128
E = 160000
NC, NS = 2, 16

_EC = E // (NC * NS)
_ROWS_A = 640
_NPAD = _ROWS_A * NS


def _deg_body(dst_hbm, degs0_hbm, degs1_hbm, dstv, ones_v, zb, deg_sh):
    c = lax.axis_index("c")
    s = lax.axis_index("s")

    def fill_ones(i, _):
        ones_v[pl.ds(i * 16, 16)] = jnp.ones((16,), jnp.float32)
        return 0

    lax.fori_loop(0, _EC // 16, fill_ones, 0)
    ones_v[pl.ds(_EC - 16, 16)] = jnp.ones((16,), jnp.float32)

    def fill_zero(i, _):
        zb[pl.ds(i * 16, 16)] = jnp.zeros((16,), jnp.float32)
        return 0

    lax.fori_loop(0, _ROWS_A // 16, fill_zero, 0)
    pltpu.sync_copy(zb, deg_sh.at[pl.ds(s * _ROWS_A, _ROWS_A)])
    plsc.subcore_barrier()
    off = c * (E // 2) + s * _EC
    pltpu.sync_copy(dst_hbm.at[pl.ds(off, _EC)], dstv)
    pltpu.sync_copy(ones_v, deg_sh.at[dstv], add=True)
    plsc.subcore_barrier()
    pltpu.sync_copy(deg_sh.at[pl.ds(s * _ROWS_A, _ROWS_A)], zb)

    @pl.when(c == 0)
    def _():
        pltpu.sync_copy(zb, degs0_hbm.at[pl.ds(s * _ROWS_A, _ROWS_A)])

    @pl.when(c == 1)
    def _():
        pltpu.sync_copy(zb, degs1_hbm.at[pl.ds(s * _ROWS_A, _ROWS_A)])


_deg_call = pl.kernel(
    _deg_body,
    out_type=[
        jax.ShapeDtypeStruct((_NPAD,), jnp.float32),
        jax.ShapeDtypeStruct((_NPAD,), jnp.float32),
    ],
    mesh=plsc.VectorSubcoreMesh(core_axis_name="c", subcore_axis_name="s"),
    scratch_types=[
        pltpu.VMEM((_EC,), jnp.int32),
        pltpu.VMEM((_EC,), jnp.float32),
        pltpu.VMEM((_ROWS_A,), jnp.float32),
        pltpu.VMEM_SHARED((_NPAD,), jnp.float32),
    ],
)

_RB = 1000


def _mm_body(x_ref, w_ref, d0_ref, d1_ref, yl_ref, yr_ref, dis_ref):
    deg = d0_ref[...] + d1_ref[...] + 1.0
    dis = lax.rsqrt(deg)
    xw = jnp.dot(x_ref[...], w_ref[...], preferred_element_type=jnp.float32)
    y = xw * dis
    yl_ref[...] = y[:, :H]
    yr_ref[...] = y[:, H:]
    dis_ref[...] = dis


_mm_call = pl.pallas_call(
    _mm_body,
    grid=(N // _RB,),
    in_specs=[
        pl.BlockSpec((_RB, D), lambda i: (i, 0)),
        pl.BlockSpec((D, D), lambda i: (0, 0)),
        pl.BlockSpec((_RB, 1), lambda i: (i, 0)),
        pl.BlockSpec((_RB, 1), lambda i: (i, 0)),
    ],
    out_specs=[
        pl.BlockSpec((_RB, H), lambda i: (i, 0)),
        pl.BlockSpec((_RB, H), lambda i: (i, 0)),
        pl.BlockSpec((_RB, 1), lambda i: (i, 0)),
    ],
    out_shape=[
        jax.ShapeDtypeStruct((N, H), jnp.float32),
        jax.ShapeDtypeStruct((N, H), jnp.float32),
        jax.ShapeDtypeStruct((N, 1), jnp.float32),
    ],
)

_BE = 104
_ET = E // NS
_NB = _ET // _BE
_TL = _ET - _NB * _BE
_NP = _NB // 2
_RT = 624


def _edge_body(yl_hbm, yr_hbm, src_hbm, dst_hbm, accl_hbm, accr_hbm,
               idx_s, idx_d, idx_t, rows_a, rows_b, acc_sh, sem_a, sem_b,
               sem_p):
    c = lax.axis_index("c")
    s = lax.axis_index("s")
    e0 = s * _ET
    pltpu.sync_copy(src_hbm.at[pl.ds(e0, _ET)], idx_s)
    pltpu.async_copy(dst_hbm.at[pl.ds(e0 + _NB * _BE, _TL)], idx_t, sem_p)

    def pre_start(b, _):
        pltpu.async_copy(dst_hbm.at[pl.ds(e0 + b * _BE, _BE)], idx_d.at[b],
                         sem_p)
        return 0

    lax.fori_loop(0, _NB, pre_start, 0)

    def fill_zero(i, _):
        rows_a[i // 8, pl.ds((i % 8) * 16, 16)] = jnp.zeros((16,), jnp.float32)
        return 0

    lax.fori_loop(0, _BE * (H // 16), fill_zero, 0)
    r0 = s * _RT

    def zero_start(j, _):
        pltpu.async_copy(rows_a, acc_sh.at[pl.ds(r0 + _BE * j, _BE)], sem_a)
        return 0

    lax.fori_loop(0, _RT // _BE, zero_start, 0)

    @pl.when(s == 15)
    def _():
        pltpu.sync_copy(rows_a.at[pl.ds(0, 16)], acc_sh.at[pl.ds(9984, 16)])

    def zero_drain(j, _):
        pltpu.make_async_copy(rows_a, acc_sh.at[pl.ds(r0 + _BE * j, _BE)],
                              sem_a).wait()
        return 0

    lax.fori_loop(0, _RT // _BE, zero_drain, 0)

    def pre_drain(b, _):
        pltpu.make_async_copy(dst_hbm.at[pl.ds(e0 + b * _BE, _BE)],
                              idx_d.at[b], sem_p).wait()
        return 0

    lax.fori_loop(0, _NB, pre_drain, 0)
    pltpu.make_async_copy(dst_hbm.at[pl.ds(e0 + _NB * _BE, _TL)], idx_t,
                          sem_p).wait()
    plsc.subcore_barrier()

    def start(b, rows, sem):
        @pl.when(c == 0)
        def _():
            pltpu.async_copy(yl_hbm.at[idx_s.at[pl.ds(b * _BE, _BE)]], rows, sem)

        @pl.when(c == 1)
        def _():
            pltpu.async_copy(yr_hbm.at[idx_s.at[pl.ds(b * _BE, _BE)]], rows, sem)

    def wait(b, rows, sem):
        @pl.when(c == 0)
        def _():
            pltpu.make_async_copy(yl_hbm.at[idx_s.at[pl.ds(b * _BE, _BE)]],
                                  rows, sem).wait()

        @pl.when(c == 1)
        def _():
            pltpu.make_async_copy(yr_hbm.at[idx_s.at[pl.ds(b * _BE, _BE)]],
                                  rows, sem).wait()

    def scat(b, rows):
        pltpu.sync_copy(rows, acc_sh.at[idx_d.at[b]], add=True)

    start(0, rows_a, sem_a)

    def pair(g, _):
        b0 = 2 * g
        start(b0 + 1, rows_b, sem_b)
        wait(b0, rows_a, sem_a)
        scat(b0, rows_a)

        @pl.when(g < _NP - 1)
        def _():
            start(b0 + 2, rows_a, sem_a)

        wait(b0 + 1, rows_b, sem_b)
        scat(b0 + 1, rows_b)
        return 0

    lax.fori_loop(0, _NP, pair, 0)

    @pl.when(c == 0)
    def _():
        pltpu.async_copy(yl_hbm.at[idx_s.at[pl.ds(_NB * _BE, _TL)]],
                         rows_b.at[pl.ds(0, _TL)], sem_b)
        pltpu.make_async_copy(yl_hbm.at[idx_s.at[pl.ds(_NB * _BE, _TL)]],
                              rows_b.at[pl.ds(0, _TL)], sem_b).wait()

    @pl.when(c == 1)
    def _():
        pltpu.async_copy(yr_hbm.at[idx_s.at[pl.ds(_NB * _BE, _TL)]],
                         rows_b.at[pl.ds(0, _TL)], sem_b)
        pltpu.make_async_copy(yr_hbm.at[idx_s.at[pl.ds(_NB * _BE, _TL)]],
                              rows_b.at[pl.ds(0, _TL)], sem_b).wait()

    pltpu.sync_copy(rows_b.at[pl.ds(0, _TL)], acc_sh.at[idx_t], add=True)
    plsc.subcore_barrier()

    @pl.when((c == 0) & (s < 15))
    def _():
        pltpu.sync_copy(acc_sh.at[pl.ds(r0, _RT)], accl_hbm.at[pl.ds(r0, _RT)])

    @pl.when((c == 0) & (s == 15))
    def _():
        pltpu.sync_copy(acc_sh.at[pl.ds(15 * _RT, 640)],
                        accl_hbm.at[pl.ds(15 * _RT, 640)])

    @pl.when((c == 1) & (s < 15))
    def _():
        pltpu.sync_copy(acc_sh.at[pl.ds(r0, _RT)], accr_hbm.at[pl.ds(r0, _RT)])

    @pl.when((c == 1) & (s == 15))
    def _():
        pltpu.sync_copy(acc_sh.at[pl.ds(15 * _RT, 640)],
                        accr_hbm.at[pl.ds(15 * _RT, 640)])


_edge_call = pl.kernel(
    _edge_body,
    out_type=[
        jax.ShapeDtypeStruct((N, H), jnp.float32),
        jax.ShapeDtypeStruct((N, H), jnp.float32),
    ],
    mesh=plsc.VectorSubcoreMesh(core_axis_name="c", subcore_axis_name="s"),
    scratch_types=[
        pltpu.VMEM((_ET,), jnp.int32),
        pltpu.VMEM((_NB, _BE), jnp.int32),
        pltpu.VMEM((_TL,), jnp.int32),
        pltpu.VMEM((_BE, H), jnp.float32),
        pltpu.VMEM((_BE, H), jnp.float32),
        pltpu.VMEM_SHARED((N, H), jnp.float32),
        pltpu.SemaphoreType.DMA,
        pltpu.SemaphoreType.DMA,
        pltpu.SemaphoreType.DMA,
    ],
)



def _fin_body(al_ref, ar_ref, yl_ref, yr_ref, dis_ref, b_ref, out_ref):
    d = dis_ref[...]
    left = (al_ref[...] + yl_ref[...]) * d
    right = (ar_ref[...] + yr_ref[...]) * d
    out_ref[...] = jnp.concatenate([left, right], axis=1) + b_ref[...]


_fin_call = pl.pallas_call(
    _fin_body,
    grid=(N // _RB,),
    in_specs=[
        pl.BlockSpec((_RB, H), lambda i: (i, 0)),
        pl.BlockSpec((_RB, H), lambda i: (i, 0)),
        pl.BlockSpec((_RB, H), lambda i: (i, 0)),
        pl.BlockSpec((_RB, H), lambda i: (i, 0)),
        pl.BlockSpec((_RB, 1), lambda i: (i, 0)),
        pl.BlockSpec((1, D), lambda i: (0, 0)),
    ],
    out_specs=pl.BlockSpec((_RB, D), lambda i: (i, 0)),
    out_shape=jax.ShapeDtypeStruct((N, D), jnp.float32),
)


def kernel(x, edge_index, W, b):
    assert x.shape == (N, D) and W.shape == (D, D) and edge_index.shape == (2, E)
    src = edge_index[0].astype(jnp.int32)
    dst = edge_index[1].astype(jnp.int32)
    degs0, degs1 = _deg_call(dst)
    d0 = degs0[:N].reshape(N, 1)
    d1 = degs1[:N].reshape(N, 1)
    yl, yr, dis = _mm_call(x, W, d0, d1)
    accl, accr = _edge_call(yl, yr, src, dst)
    out = _fin_call(accl, accr, yl, yr, dis, b.reshape(1, D))
    return out

# --- scband reference (transcript-rebuilt; emitter-appended) ---
"""Pipeline reference for scband-gcn-73572789781346 (READ-ONLY COPY).

The authoritative reference and input builder live on the scoring server;
editing this copy changes nothing except your own understanding.
"""

import jax, jax.numpy as jnp
import numpy as np

N_NODES = 10000
IN_CHANNELS = 256
OUT_CHANNELS = 256
N_EDGES = 160000


def setup_inputs(seed: int = 0) -> dict:
    key = jax.random.key(seed)
    k1, k2, k3, k4 = jax.random.split(key, 4)
    x = jax.random.normal(k1, (N_NODES, IN_CHANNELS), dtype=jnp.float32)
    edge_index = jax.random.randint(k2, (2, N_EDGES), 0, N_NODES, dtype=jnp.int64)
    # GCNConv learned parameters (glorot init for weight, zeros for bias, as in PyG)
    limit = float(np.sqrt(6.0 / (IN_CHANNELS + OUT_CHANNELS)))
    W = jax.random.uniform(k3, (IN_CHANNELS, OUT_CHANNELS), dtype=jnp.float32, minval=-limit, maxval=limit)
    b = jnp.zeros((OUT_CHANNELS,), dtype=jnp.float32)
    return {"x": x, "edge_index": edge_index, "W": W, "b": b}


def reference(x, edge_index, W, b):
    # Faithful jax translation of GCN.forward -> GCNConv(x, edge_index)
    # PyG GCNConv (add_self_loops=True, normalize=True, improved=False):
    #   1) add self loops
    #   2) symmetric normalization norm = deg^{-1/2}[src] * deg^{-1/2}[dst]
    #      (deg computed by scatter-add of ones onto dst/col)
    #   3) linear transform x @ W
    #   4) message = norm * x_lin[src]; aggregate = scatter-add onto dst
    #   5) add bias
    N = x.shape[0]
    loop = jnp.arange(N, dtype=edge_index.dtype)
    src = jnp.concatenate([edge_index[0], loop])
    dst = jnp.concatenate([edge_index[1], loop])

    ones = jnp.ones(src.shape[0], dtype=x.dtype)
    deg = jnp.zeros((N,), dtype=x.dtype).at[dst].add(ones)
    deg_inv_sqrt = jnp.power(deg, -0.5)
    deg_inv_sqrt = jnp.where(jnp.isinf(deg_inv_sqrt), 0.0, deg_inv_sqrt)
    norm = deg_inv_sqrt[src] * deg_inv_sqrt[dst]

    xw = x @ W
    msgs = xw[src] * norm[:, None]
    out = jnp.zeros((N, W.shape[1]), dtype=x.dtype).at[dst].add(msgs)
    out = out + b
    return out

if __name__ == "__main__":
    import jax
    _d = setup_inputs()
    print(jax.jit(kernel)(*tuple(_d.values())))

</pallas_src>

<mosaic_0001>
#map = affine_map<(d0, d1) -> (0, 0)>
#map1 = affine_map<(d0, d1) -> (0)>
module attributes {stable_mosaic.version = 14 : i64} {
  func.func @_edge_body(%arg0: i32, %arg1: i32, %arg2: memref<10000x128xf32, #tpu.memory_space<hbm>>, %arg3: memref<10000x128xf32, #tpu.memory_space<hbm>>, %arg4: memref<160000xi32, #tpu.memory_space<hbm>>, %arg5: memref<160000xi32, #tpu.memory_space<hbm>>, %arg6: memref<10000x128xf32, #tpu.memory_space<hbm>>, %arg7: memref<10000x128xf32, #tpu.memory_space<hbm>>, %arg8: memref<10000xi32, #tpu.memory_space<vmem>>, %arg9: memref<96x104xi32, #tpu.memory_space<vmem>>, %arg10: memref<16xi32, #tpu.memory_space<vmem>>, %arg11: memref<104x128xf32, #tpu.memory_space<vmem>>, %arg12: memref<104x128xf32, #tpu.memory_space<vmem>>, %arg13: memref<10000x128xf32, #tpu.memory_space<vmem_shared>>, %arg14: memref<!tpu.dma_semaphore, #tpu.memory_space<semaphore_mem>>, %arg15: memref<!tpu.dma_semaphore, #tpu.memory_space<semaphore_mem>>, %arg16: memref<!tpu.dma_semaphore, #tpu.memory_space<semaphore_mem>>) attributes {dimension_semantics = [#tpu.dimension_semantics<core_parallel>, #tpu.dimension_semantics<subcore_parallel>], iteration_bounds = array<i64: 2, 16>, scalar_prefetch = 0 : i64, scratch_operands = 9 : i64, tpu.core_type = #tpu.core_type<sc_vector_subcore>, window_params = [{transform_indices = #map}, {transform_indices = #map}, {transform_indices = #map1}, {transform_indices = #map1}, {transform_indices = #map}, {transform_indices = #map}]} {
    %mul3A = arith.constant 10000 : i32
    %mul3A_0 = arith.muli %arg1, %mul3A : i32
    "tpu.region"() ({
      %run_scoped3A = tpu.sem_alloc : memref<!tpu.dma_semaphore, #tpu.memory_space<semaphore_mem>>
      %dma_start3A_102 = tpu.memref_slice %arg4[%mul3A_0] : memref<160000xi32, #tpu.memory_space<hbm>> -> memref<10000xi32, #tpu.memory_space<hbm>>
      %dma_start3A_103 = tpu.memref_slice %arg4[%mul3A_0] : memref<160000xi32, #tpu.memory_space<hbm>> -> memref<10000xi32, #tpu.memory_space<hbm>>
      tpu.enqueue_dma source(%dma_start3A_103 : memref<10000xi32, #tpu.memory_space<hbm>>) target(%arg8 : memref<10000xi32, #tpu.memory_space<vmem>>) target_semaphore(%run_scoped3A : memref<!tpu.dma_semaphore, #tpu.memory_space<semaphore_mem>>)
      %dma_wait3A_104 = tpu.memref_slice %arg4[%mul3A_0] : memref<160000xi32, #tpu.memory_space<hbm>> -> memref<10000xi32, #tpu.memory_space<hbm>>
      %dma_wait3A_105 = tpu.memref_slice %arg4[%mul3A_0] : memref<160000xi32, #tpu.memory_space<hbm>> -> memref<10000xi32, #tpu.memory_space<hbm>>
      tpu.wait_dma2 semaphore(%run_scoped3A : memref<!tpu.dma_semaphore, #tpu.memory_space<semaphore_mem>>) src(%dma_wait3A_105 : memref<10000xi32, #tpu.memory_space<hbm>>) dst(%arg8 : memref<10000xi32, #tpu.memory_space<vmem>>)
      tpu.yield
    }) : () -> ()
    %add3A = arith.constant 9984 : i32
    %add3A_1 = arith.addi %mul3A_0, %add3A : i32
    %dma_start3A = tpu.memref_slice %arg5[%add3A_1] : memref<160000xi32, #tpu.memory_space<hbm>> -> memref<16xi32, #tpu.memory_space<hbm>>
    %dma_start3A_2 = tpu.memref_slice %arg5[%add3A_1] : memref<160000xi32, #tpu.memory_space<hbm>> -> memref<16xi32, #tpu.memory_space<hbm>>
    tpu.enqueue_dma source(%dma_start3A_2 : memref<16xi32, #tpu.memory_space<hbm>>) target(%arg10 : memref<16xi32, #tpu.memory_space<vmem>>) target_semaphore(%arg16 : memref<!tpu.dma_semaphore, #tpu.memory_space<semaphore_mem>>)
    %scan3A = arith.constant 0 : i32
    %scan3A_3 = arith.constant 0 : i32
    %scan3A_4 = arith.constant 96 : i32
    %scan3A_5 = arith.addi %scan3A_3, %scan3A_4 : i32
    %scan3A_6 = arith.constant 1 : i32
    %scan3A_7 = scf.for %scan3A_102 = %scan3A_3 to %scan3A_5 step %scan3A_6 iter_args(%scan3A_103 = %scan3A) -> (i32)  : i32 {
      %mul3A_104 = arith.constant 104 : i32
      %mul3A_105 = arith.muli %scan3A_102, %mul3A_104 : i32
      %add3A_106 = arith.addi %mul3A_0, %mul3A_105 : i32
      %dma_start3A_107 = arith.constant 0 : i32
      %dma_start3A_108 = tpu.memref_slice %arg9[%scan3A_102, %dma_start3A_107] : memref<96x104xi32, #tpu.memory_space<vmem>> -> memref<1x104xi32, #tpu.memory_space<vmem>>
      %dma_start3A_109 = tpu.memref_squeeze %dma_start3A_108 : memref<1x104xi32, #tpu.memory_space<vmem>> -> memref<104xi32, #tpu.memory_space<vmem>>
      %dma_start3A_110 = tpu.memref_slice %arg5[%add3A_106] : memref<160000xi32, #tpu.memory_space<hbm>> -> memref<104xi32, #tpu.memory_space<hbm>>
      %dma_start3A_111 = arith.constant 0 : i32
      %dma_start3A_112 = tpu.memref_slice %arg9[%scan3A_102, %dma_start3A_111] : memref<96x104xi32, #tpu.memory_space<vmem>> -> memref<1x104xi32, #tpu.memory_space<vmem>>
      %dma_start3A_113 = tpu.memref_squeeze %dma_start3A_112 : memref<1x104xi32, #tpu.memory_space<vmem>> -> memref<104xi32, #tpu.memory_space<vmem>>
      %dma_start3A_114 = tpu.memref_slice %arg5[%add3A_106] : memref<160000xi32, #tpu.memory_space<hbm>> -> memref<104xi32, #tpu.memory_space<hbm>>
      tpu.enqueue_dma source(%dma_start3A_114 : memref<104xi32, #tpu.memory_space<hbm>>) target(%dma_start3A_113 : memref<104xi32, #tpu.memory_space<vmem>>) target_semaphore(%arg16 : memref<!tpu.dma_semaphore, #tpu.memory_space<semaphore_mem>>)
      %scan3A_115 = arith.constant 0 : i32
      scf.yield %scan3A_115 : i32
    }
    %scan3A_8 = arith.constant 96 : i32
    %scan3A_9 = arith.constant 0 : i32
    %scan3A_10 = arith.constant 0 : i32
    %scan3A_11 = arith.constant 832 : i32
    %scan3A_12 = arith.addi %scan3A_10, %scan3A_11 : i32
    %scan3A_13 = arith.constant 1 : i32
    %scan3A_14 = scf.for %scan3A_102 = %scan3A_10 to %scan3A_12 step %scan3A_13 iter_args(%scan3A_103 = %scan3A_9) -> (i32)  : i32 {
      %broadcast_in_dim3A = arith.constant 0.000000e+00 : f32
      %broadcast_in_dim3A_104 = vector.broadcast %broadcast_in_dim3A : f32 to vector<16xf32>
      %jit3A = arith.constant 8 : i32
      %div3A = arith.divsi %scan3A_102, %jit3A : i32
      %sign3A = arith.constant 0 : i32
      %sign3A_105 = arith.cmpi sgt, %scan3A_102, %sign3A : i32
      %sign3A_106 = arith.extui %sign3A_105 : i1 to i32
      %sign3A_107 = arith.constant 0 : i32
      %sign3A_108 = arith.cmpi slt, %scan3A_102, %sign3A_107 : i32
      %sign3A_109 = arith.extui %sign3A_108 : i1 to i32
      %sign3A_110 = arith.subi %sign3A_106, %sign3A_109 : i32
      %sign3A_111 = arith.constant 0 : i32
      %sign3A_112 = arith.cmpi sgt, %jit3A, %sign3A_111 : i32
      %sign3A_113 = arith.extui %sign3A_112 : i1 to i32
      %sign3A_114 = arith.constant 0 : i32
      %sign3A_115 = arith.cmpi slt, %jit3A, %sign3A_114 : i32
      %sign3A_116 = arith.extui %sign3A_115 : i1 to i32
      %sign3A_117 = arith.subi %sign3A_113, %sign3A_116 : i32
      %ne3A = arith.cmpi ne, %sign3A_110, %sign3A_117 : i32
      %rem3A = arith.remsi %scan3A_102, %jit3A : i32
      %ne3A_118 = arith.constant 0 : i32
      %ne3A_119 = arith.cmpi ne, %rem3A, %ne3A_118 : i32
      %and3A_120 = arith.andi %ne3A, %ne3A_119 : i1
      %sub3A = arith.constant 1 : i32
      %sub3A_121 = arith.subi %div3A, %sub3A : i32
      %select_n3A = arith.select %and3A_120, %sub3A_121, %div3A : i32
      %jit3A_122 = arith.constant 8 : i32
      %eq3A_123 = arith.constant 0 : i32
      %eq3A_124 = arith.cmpi eq, %jit3A_122, %eq3A_123 : i32
      %jit3A_125 = arith.constant 1 : i32
      %select_n3A_126 = arith.select %eq3A_124, %jit3A_125, %jit3A_122 : i32
      %rem3A_127 = arith.remsi %scan3A_102, %select_n3A_126 : i32
      %ne3A_128 = arith.constant 0 : i32
      %ne3A_129 = arith.cmpi ne, %rem3A_127, %ne3A_128 : i32
      %lt3A_130 = arith.constant 0 : i32
      %lt3A_131 = arith.cmpi slt, %rem3A_127, %lt3A_130 : i32
      %lt3A_132 = arith.constant 0 : i32
      %lt3A_133 = arith.cmpi slt, %select_n3A_126, %lt3A_132 : i32
      %ne3A_134 = arith.xori %lt3A_131, %lt3A_133 : i1
      %and3A_135 = arith.andi %ne3A_134, %ne3A_129 : i1
      %add3A_136 = arith.addi %rem3A_127, %select_n3A_126 : i32
      %select_n3A_137 = arith.select %and3A_135, %add3A_136, %rem3A_127 : i32
      %mul3A_138 = arith.constant 16 : i32
      %mul3A_139 = arith.muli %select_n3A_137, %mul3A_138 : i32
      %swap3A = arith.index_cast %select_n3A : i32 to index
      %swap3A_140 = arith.index_cast %mul3A_139 : i32 to index
      %swap3A_141 = tpu.vector_load %arg11[%swap3A, %swap3A_140] {strides = array<i32>} : memref<104x128xf32, #tpu.memory_space<vmem>>, vector<1x16xf32>,
      %swap3A_142 = vector.shape_cast %swap3A_141 : vector<1x16xf32> to vector<16xf32>
      %swap3A_143 = vector.shape_cast %broadcast_in_dim3A_104 : vector<16xf32> to vector<1x16xf32>
      tpu.vector_store %arg11[%swap3A, %swap3A_140], %swap3A_143 {strides = array<i32>} : memref<104x128xf32, #tpu.memory_space<vmem>>, vector<1x16xf32>,
      %scan3A_144 = arith.constant 0 : i32
      scf.yield %scan3A_144 : i32
    }
    %scan3A_15 = arith.constant 832 : i32
    %mul3A_16 = arith.constant 624 : i32
    %mul3A_17 = arith.muli %arg1, %mul3A_16 : i32
    %scan3A_18 = arith.constant 0 : i32
    %scan3A_19 = arith.constant 0 : i32
    %scan3A_20 = arith.constant 6 : i32
    %scan3A_21 = arith.addi %scan3A_19, %scan3A_20 : i32
    %scan3A_22 = arith.constant 1 : i32
    %scan3A_23 = scf.for %scan3A_102 = %scan3A_19 to %scan3A_21 step %scan3A_22 iter_args(%scan3A_103 = %scan3A_18) -> (i32)  : i32 {
      %mul3A_104 = arith.constant 104 : i32
      %mul3A_105 = arith.muli %mul3A_104, %scan3A_102 : i32
      %add3A_106 = arith.addi %mul3A_17, %mul3A_105 : i32
      %dma_start3A_107 = arith.constant 0 : i32
      %dma_start3A_108 = tpu.memref_slice %arg13[%add3A_106, %dma_start3A_107] : memref<10000x128xf32, #tpu.memory_space<vmem_shared>> -> memref<104x128xf32, #tpu.memory_space<vmem_shared>>
      %dma_start3A_109 = arith.constant 0 : i32
      %dma_start3A_110 = tpu.memref_slice %arg13[%add3A_106, %dma_start3A_109] : memref<10000x128xf32, #tpu.memory_space<vmem_shared>> -> memref<104x128xf32, #tpu.memory_space<vmem_shared>>
      tpu.enqueue_dma source(%arg11 : memref<104x128xf32, #tpu.memory_space<vmem>>) target(%dma_start3A_110 : memref<104x128xf32, #tpu.memory_space<vmem_shared>>) target_semaphore(%arg14 : memref<!tpu.dma_semaphore, #tpu.memory_space<semaphore_mem>>)
      %scan3A_111 = arith.constant 0 : i32
      scf.yield %scan3A_111 : i32
    }
    %scan3A_24 = arith.constant 6 : i32
    %eq3A = arith.constant 15 : i32
    %eq3A_25 = arith.cmpi eq, %arg1, %eq3A : i32
    %convert_element_type3A = arith.extui %eq3A_25 : i1 to i32
    %cond3A = arith.constant 0 : i32
    %cond3A_26 = arith.cmpi ne, %convert_element_type3A, %cond3A : i32
    scf.if %cond3A_26 {
      "tpu.region"() ({
        %run_scoped3A = tpu.sem_alloc : memref<!tpu.dma_semaphore, #tpu.memory_space<semaphore_mem>>
        %dma_start3A_102 = arith.constant 0 : i32
        %dma_start3A_103 = arith.constant 0 : i32
        %dma_start3A_104 = tpu.memref_slice %arg11[%dma_start3A_102, %dma_start3A_103] : memref<104x128xf32, #tpu.memory_space<vmem>> -> memref<16x128xf32, #tpu.memory_space<vmem>>
        %dma_start3A_105 = arith.constant 9984 : i32
        %dma_start3A_106 = arith.constant 0 : i32
        %dma_start3A_107 = tpu.memref_slice %arg13[%dma_start3A_105, %dma_start3A_106] : memref<10000x128xf32, #tpu.memory_space<vmem_shared>> -> memref<16x128xf32, #tpu.memory_space<vmem_shared>>
        %dma_start3A_108 = arith.constant 9984 : i32
        %dma_start3A_109 = arith.constant 0 : i32
        %dma_start3A_110 = tpu.memref_slice %arg13[%dma_start3A_108, %dma_start3A_109] : memref<10000x128xf32, #tpu.memory_space<vmem_shared>> -> memref<16x128xf32, #tpu.memory_space<vmem_shared>>
        %dma_start3A_111 = arith.constant 0 : i32
        %dma_start3A_112 = arith.constant 0 : i32
        %dma_start3A_113 = tpu.memref_slice %arg11[%dma_start3A_111, %dma_start3A_112] : memref<104x128xf32, #tpu.memory_space<vmem>> -> memref<16x128xf32, #tpu.memory_space<vmem>>
        tpu.enqueue_dma source(%dma_start3A_113 : memref<16x128xf32, #tpu.memory_space<vmem>>) target(%dma_start3A_110 : memref<16x128xf32, #tpu.memory_space<vmem_shared>>) target_semaphore(%run_scoped3A : memref<!tpu.dma_semaphore, #tpu.memory_space<semaphore_mem>>)
        %dma_wait3A_114 = arith.constant 0 : i32
        %dma_wait3A_115 = arith.constant 0 : i32
        %dma_wait3A_116 = tpu.memref_slice %arg11[%dma_wait3A_114, %dma_wait3A_115] : memref<104x128xf32, #tpu.memory_space<vmem>> -> memref<16x128xf32, #tpu.memory_space<vmem>>
        %dma_wait3A_117 = arith.constant 9984 : i32
        %dma_wait3A_118 = arith.constant 0 : i32
        %dma_wait3A_119 = tpu.memref_slice %arg13[%dma_wait3A_117, %dma_wait3A_118] : memref<10000x128xf32, #tpu.memory_space<vmem_shared>> -> memref<16x128xf32, #tpu.memory_space<vmem_shared>>
        %dma_wait3A_120 = arith.constant 9984 : i32
        %dma_wait3A_121 = arith.constant 0 : i32
        %dma_wait3A_122 = tpu.memref_slice %arg13[%dma_wait3A_120, %dma_wait3A_121] : memref<10000x128xf32, #tpu.memory_space<vmem_shared>> -> memref<16x128xf32, #tpu.memory_space<vmem_shared>>
        %dma_wait3A_123 = arith.constant 0 : i32
        %dma_wait3A_124 = arith.constant 0 : i32
        %dma_wait3A_125 = tpu.memref_slice %arg11[%dma_wait3A_123, %dma_wait3A_124] : memref<104x128xf32, #tpu.memory_space<vmem>> -> memref<16x128xf32, #tpu.memory_space<vmem>>
        tpu.wait_dma2 semaphore(%run_scoped3A : memref<!tpu.dma_semaphore, #tpu.memory_space<semaphore_mem>>) src(%dma_wait3A_125 : memref<16x128xf32, #tpu.memory_space<vmem>>) dst(%dma_wait3A_122 : memref<16x128xf32, #tpu.memory_space<vmem_shared>>)
        tpu.yield
      }) : () -> ()
    } else {
    }
    %scan3A_27 = arith.constant 0 : i32
    %scan3A_28 = arith.constant 0 : i32
    %scan3A_29 = arith.constant 6 : i32
    %scan3A_30 = arith.addi %scan3A_28, %scan3A_29 : i32
    %scan3A_31 = arith.constant 1 : i32
    %scan3A_32 = scf.for %scan3A_102 = %scan3A_28 to %scan3A_30 step %scan3A_31 iter_args(%scan3A_103 = %scan3A_27) -> (i32)  : i32 {
      %mul3A_104 = arith.constant 104 : i32
      %mul3A_105 = arith.muli %mul3A_104, %scan3A_102 : i32
      %add3A_106 = arith.addi %mul3A_17, %mul3A_105 : i32
      %dma_wait3A_107 = arith.constant 0 : i32
      %dma_wait3A_108 = tpu.memref_slice %arg13[%add3A_106, %dma_wait3A_107] : memref<10000x128xf32, #tpu.memory_space<vmem_shared>> -> memref<104x128xf32, #tpu.memory_space<vmem_shared>>
      %dma_wait3A_109 = arith.constant 0 : i32
      %dma_wait3A_110 = tpu.memref_slice %arg13[%add3A_106, %dma_wait3A_109] : memref<10000x128xf32, #tpu.memory_space<vmem_shared>> -> memref<104x128xf32, #tpu.memory_space<vmem_shared>>
      tpu.wait_dma2 semaphore(%arg14 : memref<!tpu.dma_semaphore, #tpu.memory_space<semaphore_mem>>) src(%arg11 : memref<104x128xf32, #tpu.memory_space<vmem>>) dst(%dma_wait3A_110 : memref<104x128xf32, #tpu.memory_space<vmem_shared>>)
      %scan3A_111 = arith.constant 0 : i32
      scf.yield %scan3A_111 : i32
    }
    %scan3A_33 = arith.constant 6 : i32
    %scan3A_34 = arith.constant 0 : i32
    %scan3A_35 = arith.constant 0 : i32
    %scan3A_36 = arith.constant 96 : i32
    %scan3A_37 = arith.addi %scan3A_35, %scan3A_36 : i32
    %scan3A_38 = arith.constant 1 : i32
    %scan3A_39 = scf.for %scan3A_102 = %scan3A_35 to %scan3A_37 step %scan3A_38 iter_args(%scan3A_103 = %scan3A_34) -> (i32)  : i32 {
      %mul3A_104 = arith.constant 104 : i32
      %mul3A_105 = arith.muli %scan3A_102, %mul3A_104 : i32
      %add3A_106 = arith.addi %mul3A_0, %mul3A_105 : i32
      %dma_wait3A_107 = arith.constant 0 : i32
      %dma_wait3A_108 = tpu.memref_slice %arg9[%scan3A_102, %dma_wait3A_107] : memref<96x104xi32, #tpu.memory_space<vmem>> -> memref<1x104xi32, #tpu.memory_space<vmem>>
      %dma_wait3A_109 = tpu.memref_squeeze %dma_wait3A_108 : memref<1x104xi32, #tpu.memory_space<vmem>> -> memref<104xi32, #tpu.memory_space<vmem>>
      %dma_wait3A_110 = tpu.memref_slice %arg5[%add3A_106] : memref<160000xi32, #tpu.memory_space<hbm>> -> memref<104xi32, #tpu.memory_space<hbm>>
      %dma_wait3A_111 = arith.constant 0 : i32
      %dma_wait3A_112 = tpu.memref_slice %arg9[%scan3A_102, %dma_wait3A_111] : memref<96x104xi32, #tpu.memory_space<vmem>> -> memref<1x104xi32, #tpu.memory_space<vmem>>
      %dma_wait3A_113 = tpu.memref_squeeze %dma_wait3A_112 : memref<1x104xi32, #tpu.memory_space<vmem>> -> memref<104xi32, #tpu.memory_space<vmem>>
      %dma_wait3A_114 = tpu.memref_slice %arg5[%add3A_106] : memref<160000xi32, #tpu.memory_space<hbm>> -> memref<104xi32, #tpu.memory_space<hbm>>
      tpu.wait_dma2 semaphore(%arg16 : memref<!tpu.dma_semaphore, #tpu.memory_space<semaphore_mem>>) src(%dma_wait3A_114 : memref<104xi32, #tpu.memory_space<hbm>>) dst(%dma_wait3A_113 : memref<104xi32, #tpu.memory_space<vmem>>)
      %scan3A_115 = arith.constant 0 : i32
      scf.yield %scan3A_115 : i32
    }
    %scan3A_40 = arith.constant 96 : i32
    %add3A_41 = arith.constant 9984 : i32
    %add3A_42 = arith.addi %mul3A_0, %add3A_41 : i32
    %dma_wait3A = tpu.memref_slice %arg5[%add3A_42] : memref<160000xi32, #tpu.memory_space<hbm>> -> memref<16xi32, #tpu.memory_space<hbm>>
    %dma_wait3A_43 = tpu.memref_slice %arg5[%add3A_42] : memref<160000xi32, #tpu.memory_space<hbm>> -> memref<16xi32, #tpu.memory_space<hbm>>
    tpu.wait_dma2 semaphore(%arg16 : memref<!tpu.dma_semaphore, #tpu.memory_space<semaphore_mem>>) src(%dma_wait3A_43 : memref<16xi32, #tpu.memory_space<hbm>>) dst(%arg10 : memref<16xi32, #tpu.memory_space<vmem>>)
    %barrier3A = arith.constant 0 : index
    tpu.barrier barrier_id(%barrier3A)
    %eq3A_44 = arith.constant 0 : i32
    %eq3A_45 = arith.cmpi eq, %arg0, %eq3A_44 : i32
    %convert_element_type3A_46 = arith.extui %eq3A_45 : i1 to i32
    %cond3A_47 = arith.constant 0 : i32
    %cond3A_48 = arith.cmpi ne, %convert_element_type3A_46, %cond3A_47 : i32
    scf.if %cond3A_48 {
      %dma_start3A_102 = arith.constant 0 : i32
      %dma_start3A_103 = tpu.memref_slice %arg8[%dma_start3A_102] : memref<10000xi32, #tpu.memory_space<vmem>> -> memref<104xi32, #tpu.memory_space<vmem>>
      %dma_start3A_104 = arith.constant 0 : i32
      %dma_start3A_105 = arith.constant 0 : i32
      %dma_start3A_106 = tpu.memref_slice %arg2[%dma_start3A_104, %dma_start3A_105] : memref<10000x128xf32, #tpu.memory_space<hbm>> -> memref<10000x128xf32, #tpu.memory_space<hbm>>
      tpu.enqueue_indirect_dma source(%dma_start3A_106 : memref<10000x128xf32, #tpu.memory_space<hbm>>) target(%arg11 : memref<104x128xf32, #tpu.memory_space<vmem>>) offsets(%dma_start3A_103 : memref<104xi32, #tpu.memory_space<vmem>>) semaphore(%arg14 : memref<!tpu.dma_semaphore, #tpu.memory_space<semaphore_mem>>)
    } else {
    }
    %eq3A_49 = arith.constant 1 : i32
    %eq3A_50 = arith.cmpi eq, %arg0, %eq3A_49 : i32
    %convert_element_type3A_51 = arith.extui %eq3A_50 : i1 to i32
    %cond3A_52 = arith.constant 0 : i32
    %cond3A_53 = arith.cmpi ne, %convert_element_type3A_51, %cond3A_52 : i32
    scf.if %cond3A_53 {
      %dma_start3A_102 = arith.constant 0 : i32
      %dma_start3A_103 = tpu.memref_slice %arg8[%dma_start3A_102] : memref<10000xi32, #tpu.memory_space<vmem>> -> memref<104xi32, #tpu.memory_space<vmem>>
      %dma_start3A_104 = arith.constant 0 : i32
      %dma_start3A_105 = arith.constant 0 : i32
      %dma_start3A_106 = tpu.memref_slice %arg3[%dma_start3A_104, %dma_start3A_105] : memref<10000x128xf32, #tpu.memory_space<hbm>> -> memref<10000x128xf32, #tpu.memory_space<hbm>>
      tpu.enqueue_indirect_dma source(%dma_start3A_106 : memref<10000x128xf32, #tpu.memory_space<hbm>>) target(%arg11 : memref<104x128xf32, #tpu.memory_space<vmem>>) offsets(%dma_start3A_103 : memref<104xi32, #tpu.memory_space<vmem>>) semaphore(%arg14 : memref<!tpu.dma_semaphore, #tpu.memory_space<semaphore_mem>>)
    } else {
    }
    %scan3A_54 = arith.constant 0 : i32
    %scan3A_55 = arith.constant 0 : i32
    %scan3A_56 = arith.constant 48 : i32
    %scan3A_57 = arith.addi %scan3A_55, %scan3A_56 : i32
    %scan3A_58 = arith.constant 1 : i32
    %scan3A_59 = scf.for %scan3A_102 = %scan3A_55 to %scan3A_57 step %scan3A_58 iter_args(%scan3A_103 = %scan3A_54) -> (i32)  : i32 {
      %mul3A_104 = arith.constant 2 : i32
      %mul3A_105 = arith.muli %mul3A_104, %scan3A_102 : i32
      %add3A_106 = arith.constant 1 : i32
      %add3A_107 = arith.addi %mul3A_105, %add3A_106 : i32
      %eq3A_108 = arith.constant 0 : i32
      %eq3A_109 = arith.cmpi eq, %arg0, %eq3A_108 : i32
      %convert_element_type3A_110 = arith.extui %eq3A_109 : i1 to i32
      %cond3A_111 = arith.constant 0 : i32
      %cond3A_112 = arith.cmpi ne, %convert_element_type3A_110, %cond3A_111 : i32
      scf.if %cond3A_112 {
        %mul3A_148 = arith.constant 104 : i32
        %mul3A_149 = arith.muli %add3A_107, %mul3A_148 : i32
        %dma_start3A_150 = tpu.memref_slice %arg8[%mul3A_149] : memref<10000xi32, #tpu.memory_space<vmem>> -> memref<104xi32, #tpu.memory_space<vmem>>
        %dma_start3A_151 = arith.constant 0 : i32
        %dma_start3A_152 = arith.constant 0 : i32
        %dma_start3A_153 = tpu.memref_slice %arg2[%dma_start3A_151, %dma_start3A_152] : memref<10000x128xf32, #tpu.memory_space<hbm>> -> memref<10000x128xf32, #tpu.memory_space<hbm>>
        tpu.enqueue_indirect_dma source(%dma_start3A_153 : memref<10000x128xf32, #tpu.memory_space<hbm>>) target(%arg12 : memref<104x128xf32, #tpu.memory_space<vmem>>) offsets(%dma_start3A_150 : memref<104xi32, #tpu.memory_space<vmem>>) semaphore(%arg15 : memref<!tpu.dma_semaphore, #tpu.memory_space<semaphore_mem>>)
      } else {
      }
      %eq3A_113 = arith.constant 1 : i32
      %eq3A_114 = arith.cmpi eq, %arg0, %eq3A_113 : i32
      %convert_element_type3A_115 = arith.extui %eq3A_114 : i1 to i32
      %cond3A_116 = arith.constant 0 : i32
      %cond3A_117 = arith.cmpi ne, %convert_element_type3A_115, %cond3A_116 : i32
      scf.if %cond3A_117 {
        %mul3A_148 = arith.constant 104 : i32
        %mul3A_149 = arith.muli %add3A_107, %mul3A_148 : i32
        %dma_start3A_150 = tpu.memref_slice %arg8[%mul3A_149] : memref<10000xi32, #tpu.memory_space<vmem>> -> memref<104xi32, #tpu.memory_space<vmem>>
        %dma_start3A_151 = arith.constant 0 : i32
        %dma_start3A_152 = arith.constant 0 : i32
        %dma_start3A_153 = tpu.memref_slice %arg3[%dma_start3A_151, %dma_start3A_152] : memref<10000x128xf32, #tpu.memory_space<hbm>> -> memref<10000x128xf32, #tpu.memory_space<hbm>>
        tpu.enqueue_indirect_dma source(%dma_start3A_153 : memref<10000x128xf32, #tpu.memory_space<hbm>>) target(%arg12 : memref<104x128xf32, #tpu.memory_space<vmem>>) offsets(%dma_start3A_150 : memref<104xi32, #tpu.memory_space<vmem>>) semaphore(%arg15 : memref<!tpu.dma_semaphore, #tpu.memory_space<semaphore_mem>>)
      } else {
      }
      %eq3A_118 = arith.constant 0 : i32
      %eq3A_119 = arith.cmpi eq, %arg0, %eq3A_118 : i32
      %convert_element_type3A_120 = arith.extui %eq3A_119 : i1 to i32
      %cond3A_121 = arith.constant 0 : i32
      %cond3A_122 = arith.cmpi ne, %convert_element_type3A_120, %cond3A_121 : i32
      scf.if %cond3A_122 {
        %mul3A_148 = arith.constant 104 : i32
        %mul3A_149 = arith.muli %mul3A_105, %mul3A_148 : i32
        %dma_wait3A_150 = tpu.memref_slice %arg8[%mul3A_149] : memref<10000xi32, #tpu.memory_space<vmem>> -> memref<104xi32, #tpu.memory_space<vmem>>
        %dma_wait3A_151 = arith.constant 0 : i32
        %dma_wait3A_152 = arith.constant 0 : i32
        %dma_wait3A_153 = tpu.memref_slice %arg2[%dma_wait3A_151, %dma_wait3A_152] : memref<10000x128xf32, #tpu.memory_space<hbm>> -> memref<10000x128xf32, #tpu.memory_space<hbm>>
        tpu.wait_indirect_dma semaphore(%arg14 : memref<!tpu.dma_semaphore, #tpu.memory_space<semaphore_mem>>) src(%dma_wait3A_153 : memref<10000x128xf32, #tpu.memory_space<hbm>>) dst(%arg11 : memref<104x128xf32, #tpu.memory_space<vmem>>)
      } else {
      }
      %eq3A_123 = arith.constant 1 : i32
      %eq3A_124 = arith.cmpi eq, %arg0, %eq3A_123 : i32
      %convert_element_type3A_125 = arith.extui %eq3A_124 : i1 to i32
      %cond3A_126 = arith.constant 0 : i32
      %cond3A_127 = arith.cmpi ne, %convert_element_type3A_125, %cond3A_126 : i32
      scf.if %cond3A_127 {
        %mul3A_148 = arith.constant 104 : i32
        %mul3A_149 = arith.muli %mul3A_105, %mul3A_148 : i32
        %dma_wait3A_150 = tpu.memref_slice %arg8[%mul3A_149] : memref<10000xi32, #tpu.memory_space<vmem>> -> memref<104xi32, #tpu.memory_space<vmem>>
        %dma_wait3A_151 = arith.constant 0 : i32
        %dma_wait3A_152 = arith.constant 0 : i32
        %dma_wait3A_153 = tpu.memref_slice %arg3[%dma_wait3A_151, %dma_wait3A_152] : memref<10000x128xf32, #tpu.memory_space<hbm>> -> memref<10000x128xf32, #tpu.memory_space<hbm>>
        tpu.wait_indirect_dma semaphore(%arg14 : memref<!tpu.dma_semaphore, #tpu.memory_space<semaphore_mem>>) src(%dma_wait3A_153 : memref<10000x128xf32, #tpu.memory_space<hbm>>) dst(%arg11 : memref<104x128xf32, #tpu.memory_space<vmem>>)
      } else {
      }
      "tpu.region"() ({
        %run_scoped3A = tpu.sem_alloc : memref<!tpu.dma_semaphore, #tpu.memory_space<semaphore_mem>>
        %dma_start3A_148 = arith.constant 0 : i32
        %dma_start3A_149 = tpu.memref_slice %arg9[%mul3A_105, %dma_start3A_148] : memref<96x104xi32, #tpu.memory_space<vmem>> -> memref<1x104xi32, #tpu.memory_space<vmem>>
        %dma_start3A_150 = tpu.memref_squeeze %dma_start3A_149 : memref<1x104xi32, #tpu.memory_space<vmem>> -> memref<104xi32, #tpu.memory_space<vmem>>
        %dma_start3A_151 = arith.constant 0 : i32
        %dma_start3A_152 = arith.constant 0 : i32
        %dma_start3A_153 = tpu.memref_slice %arg13[%dma_start3A_151, %dma_start3A_152] : memref<10000x128xf32, #tpu.memory_space<vmem_shared>> -> memref<10000x128xf32, #tpu.memory_space<vmem_shared>>
        tpu.enqueue_indirect_dma source(%arg11 : memref<104x128xf32, #tpu.memory_space<vmem>>) target(%dma_start3A_153 : memref<10000x128xf32, #tpu.memory_space<vmem_shared>>) offsets(%dma_start3A_150 : memref<104xi32, #tpu.memory_space<vmem>>) semaphore(%run_scoped3A : memref<!tpu.dma_semaphore, #tpu.memory_space<semaphore_mem>>) {add = true}
        %dma_wait3A_154 = arith.constant 0 : i32
        %dma_wait3A_155 = tpu.memref_slice %arg9[%mul3A_105, %dma_wait3A_154] : memref<96x104xi32, #tpu.memory_space<vmem>> -> memref<1x104xi32, #tpu.memory_space<vmem>>
        %dma_wait3A_156 = tpu.memref_squeeze %dma_wait3A_155 : memref<1x104xi32, #tpu.memory_space<vmem>> -> memref<104xi32, #tpu.memory_space<vmem>>
        %dma_wait3A_157 = arith.constant 0 : i32
        %dma_wait3A_158 = arith.constant 0 : i32
        %dma_wait3A_159 = tpu.memref_slice %arg13[%dma_wait3A_157, %dma_wait3A_158] : memref<10000x128xf32, #tpu.memory_space<vmem_shared>> -> memref<10000x128xf32, #tpu.memory_space<vmem_shared>>
        tpu.wait_indirect_dma semaphore(%run_scoped3A : memref<!tpu.dma_semaphore, #tpu.memory_space<semaphore_mem>>) src(%arg11 : memref<104x128xf32, #tpu.memory_space<vmem>>) dst(%dma_wait3A_159 : memref<10000x128xf32, #tpu.memory_space<vmem_shared>>)
        tpu.yield
      }) : () -> ()
      %lt3A_128 = arith.constant 47 : i32
      %lt3A_129 = arith.cmpi slt, %scan3A_102, %lt3A_128 : i32
      %convert_element_type3A_130 = arith.extui %lt3A_129 : i1 to i32
      %cond3A_131 = arith.constant 0 : i32
      %cond3A_132 = arith.cmpi ne, %convert_element_type3A_130, %cond3A_131 : i32
      scf.if %cond3A_132 {
        %add3A_148 = arith.constant 2 : i32
        %add3A_149 = arith.addi %mul3A_105, %add3A_148 : i32
        %eq3A_150 = arith.constant 0 : i32
        %eq3A_151 = arith.cmpi eq, %arg0, %eq3A_150 : i32
        %convert_element_type3A_152 = arith.extui %eq3A_151 : i1 to i32
        %cond3A_153 = arith.constant 0 : i32
        %cond3A_154 = arith.cmpi ne, %convert_element_type3A_152, %cond3A_153 : i32
        scf.if %cond3A_154 {
          %mul3A_160 = arith.constant 104 : i32
          %mul3A_161 = arith.muli %add3A_149, %mul3A_160 : i32
          %dma_start3A_162 = tpu.memref_slice %arg8[%mul3A_161] : memref<10000xi32, #tpu.memory_space<vmem>> -> memref<104xi32, #tpu.memory_space<vmem>>
          %dma_start3A_163 = arith.constant 0 : i32
          %dma_start3A_164 = arith.constant 0 : i32
          %dma_start3A_165 = tpu.memref_slice %arg2[%dma_start3A_163, %dma_start3A_164] : memref<10000x128xf32, #tpu.memory_space<hbm>> -> memref<10000x128xf32, #tpu.memory_space<hbm>>
          tpu.enqueue_indirect_dma source(%dma_start3A_165 : memref<10000x128xf32, #tpu.memory_space<hbm>>) target(%arg11 : memref<104x128xf32, #tpu.memory_space<vmem>>) offsets(%dma_start3A_162 : memref<104xi32, #tpu.memory_space<vmem>>) semaphore(%arg14 : memref<!tpu.dma_semaphore, #tpu.memory_space<semaphore_mem>>)
        } else {
        }
        %eq3A_155 = arith.constant 1 : i32
        %eq3A_156 = arith.cmpi eq, %arg0, %eq3A_155 : i32
        %convert_element_type3A_157 = arith.extui %eq3A_156 : i1 to i32
        %cond3A_158 = arith.constant 0 : i32
        %cond3A_159 = arith.cmpi ne, %convert_element_type3A_157, %cond3A_158 : i32
        scf.if %cond3A_159 {
          %mul3A_160 = arith.constant 104 : i32
          %mul3A_161 = arith.muli %add3A_149, %mul3A_160 : i32
          %dma_start3A_162 = tpu.memref_slice %arg8[%mul3A_161] : memref<10000xi32, #tpu.memory_space<vmem>> -> memref<104xi32, #tpu.memory_space<vmem>>
          %dma_start3A_163 = arith.constant 0 : i32
          %dma_start3A_164 = arith.constant 0 : i32
          %dma_start3A_165 = tpu.memref_slice %arg3[%dma_start3A_163, %dma_start3A_164] : memref<10000x128xf32, #tpu.memory_space<hbm>> -> memref<10000x128xf32, #tpu.memory_space<hbm>>
          tpu.enqueue_indirect_dma source(%dma_start3A_165 : memref<10000x128xf32, #tpu.memory_space<hbm>>) target(%arg11 : memref<104x128xf32, #tpu.memory_space<vmem>>) offsets(%dma_start3A_162 : memref<104xi32, #tpu.memory_space<vmem>>) semaphore(%arg14 : memref<!tpu.dma_semaphore, #tpu.memory_space<semaphore_mem>>)
        } else {
        }
      } else {
      }
      %add3A_133 = arith.constant 1 : i32
      %add3A_134 = arith.addi %mul3A_105, %add3A_133 : i32
      %eq3A_135 = arith.constant 0 : i32
      %eq3A_136 = arith.cmpi eq, %arg0, %eq3A_135 : i32
      %convert_element_type3A_137 = arith.extui %eq3A_136 : i1 to i32
      %cond3A_138 = arith.constant 0 : i32
      %cond3A_139 = arith.cmpi ne, %convert_element_type3A_137, %cond3A_138 : i32
      scf.if %cond3A_139 {
        %mul3A_148 = arith.constant 104 : i32
        %mul3A_149 = arith.muli %add3A_134, %mul3A_148 : i32
        %dma_wait3A_150 = tpu.memref_slice %arg8[%mul3A_149] : memref<10000xi32, #tpu.memory_space<vmem>> -> memref<104xi32, #tpu.memory_space<vmem>>
        %dma_wait3A_151 = arith.constant 0 : i32
        %dma_wait3A_152 = arith.constant 0 : i32
        %dma_wait3A_153 = tpu.memref_slice %arg2[%dma_wait3A_151, %dma_wait3A_152] : memref<10000x128xf32, #tpu.memory_space<hbm>> -> memref<10000x128xf32, #tpu.memory_space<hbm>>
        tpu.wait_indirect_dma semaphore(%arg15 : memref<!tpu.dma_semaphore, #tpu.memory_space<semaphore_mem>>) src(%dma_wait3A_153 : memref<10000x128xf32, #tpu.memory_space<hbm>>) dst(%arg12 : memref<104x128xf32, #tpu.memory_space<vmem>>)
      } else {
      }
      %eq3A_140 = arith.constant 1 : i32
      %eq3A_141 = arith.cmpi eq, %arg0, %eq3A_140 : i32
      %convert_element_type3A_142 = arith.extui %eq3A_141 : i1 to i32
      %cond3A_143 = arith.constant 0 : i32
      %cond3A_144 = arith.cmpi ne, %convert_element_type3A_142, %cond3A_143 : i32
      scf.if %cond3A_144 {
        %mul3A_148 = arith.constant 104 : i32
        %mul3A_149 = arith.muli %add3A_134, %mul3A_148 : i32
        %dma_wait3A_150 = tpu.memref_slice %arg8[%mul3A_149] : memref<10000xi32, #tpu.memory_space<vmem>> -> memref<104xi32, #tpu.memory_space<vmem>>
        %dma_wait3A_151 = arith.constant 0 : i32
        %dma_wait3A_152 = arith.constant 0 : i32
        %dma_wait3A_153 = tpu.memref_slice %arg3[%dma_wait3A_151, %dma_wait3A_152] : memref<10000x128xf32, #tpu.memory_space<hbm>> -> memref<10000x128xf32, #tpu.memory_space<hbm>>
        tpu.wait_indirect_dma semaphore(%arg15 : memref<!tpu.dma_semaphore, #tpu.memory_space<semaphore_mem>>) src(%dma_wait3A_153 : memref<10000x128xf32, #tpu.memory_space<hbm>>) dst(%arg12 : memref<104x128xf32, #tpu.memory_space<vmem>>)
      } else {
      }
      %add3A_145 = arith.constant 1 : i32
      %add3A_146 = arith.addi %mul3A_105, %add3A_145 : i32
      "tpu.region"() ({
        %run_scoped3A = tpu.sem_alloc : memref<!tpu.dma_semaphore, #tpu.memory_space<semaphore_mem>>
        %dma_start3A_148 = arith.constant 0 : i32
        %dma_start3A_149 = tpu.memref_slice %arg9[%add3A_146, %dma_start3A_148] : memref<96x104xi32, #tpu.memory_space<vmem>> -> memref<1x104xi32, #tpu.memory_space<vmem>>
        %dma_start3A_150 = tpu.memref_squeeze %dma_start3A_149 : memref<1x104xi32, #tpu.memory_space<vmem>> -> memref<104xi32, #tpu.memory_space<vmem>>
        %dma_start3A_151 = arith.constant 0 : i32
        %dma_start3A_152 = arith.constant 0 : i32
        %dma_start3A_153 = tpu.memref_slice %arg13[%dma_start3A_151, %dma_start3A_152] : memref<10000x128xf32, #tpu.memory_space<vmem_shared>> -> memref<10000x128xf32, #tpu.memory_space<vmem_shared>>
        tpu.enqueue_indirect_dma source(%arg12 : memref<104x128xf32, #tpu.memory_space<vmem>>) target(%dma_start3A_153 : memref<10000x128xf32, #tpu.memory_space<vmem_shared>>) offsets(%dma_start3A_150 : memref<104xi32, #tpu.memory_space<vmem>>) semaphore(%run_scoped3A : memref<!tpu.dma_semaphore, #tpu.memory_space<semaphore_mem>>) {add = true}
        %dma_wait3A_154 = arith.constant 0 : i32
        %dma_wait3A_155 = tpu.memref_slice %arg9[%add3A_146, %dma_wait3A_154] : memref<96x104xi32, #tpu.memory_space<vmem>> -> memref<1x104xi32, #tpu.memory_space<vmem>>
        %dma_wait3A_156 = tpu.memref_squeeze %dma_wait3A_155 : memref<1x104xi32, #tpu.memory_space<vmem>> -> memref<104xi32, #tpu.memory_space<vmem>>
        %dma_wait3A_157 = arith.constant 0 : i32
        %dma_wait3A_158 = arith.constant 0 : i32
        %dma_wait3A_159 = tpu.memref_slice %arg13[%dma_wait3A_157, %dma_wait3A_158] : memref<10000x128xf32, #tpu.memory_space<vmem_shared>> -> memref<10000x128xf32, #tpu.memory_space<vmem_shared>>
        tpu.wait_indirect_dma semaphore(%run_scoped3A : memref<!tpu.dma_semaphore, #tpu.memory_space<semaphore_mem>>) src(%arg12 : memref<104x128xf32, #tpu.memory_space<vmem>>) dst(%dma_wait3A_159 : memref<10000x128xf32, #tpu.memory_space<vmem_shared>>)
        tpu.yield
      }) : () -> ()
      %scan3A_147 = arith.constant 0 : i32
      scf.yield %scan3A_147 : i32
    }
    %scan3A_60 = arith.constant 48 : i32
    %eq3A_61 = arith.constant 0 : i32
    %eq3A_62 = arith.cmpi eq, %arg0, %eq3A_61 : i32
    %convert_element_type3A_63 = arith.extui %eq3A_62 : i1 to i32
    %cond3A_64 = arith.constant 0 : i32
    %cond3A_65 = arith.cmpi ne, %convert_element_type3A_63, %cond3A_64 : i32
    scf.if %cond3A_65 {
      %dma_start3A_102 = arith.constant 0 : i32
      %dma_start3A_103 = arith.constant 0 : i32
      %dma_start3A_104 = tpu.memref_slice %arg12[%dma_start3A_102, %dma_start3A_103] : memref<104x128xf32, #tpu.memory_space<vmem>> -> memref<16x128xf32, #tpu.memory_space<vmem>>
      %dma_start3A_105 = arith.constant 9984 : i32
      %dma_start3A_106 = tpu.memref_slice %arg8[%dma_start3A_105] : memref<10000xi32, #tpu.memory_space<vmem>> -> memref<16xi32, #tpu.memory_space<vmem>>
      %dma_start3A_107 = arith.constant 0 : i32
      %dma_start3A_108 = arith.constant 0 : i32
      %dma_start3A_109 = tpu.memref_slice %arg2[%dma_start3A_107, %dma_start3A_108] : memref<10000x128xf32, #tpu.memory_space<hbm>> -> memref<10000x128xf32, #tpu.memory_space<hbm>>
      tpu.enqueue_indirect_dma source(%dma_start3A_109 : memref<10000x128xf32, #tpu.memory_space<hbm>>) target(%dma_start3A_104 : memref<16x128xf32, #tpu.memory_space<vmem>>) offsets(%dma_start3A_106 : memref<16xi32, #tpu.memory_space<vmem>>) semaphore(%arg15 : memref<!tpu.dma_semaphore, #tpu.memory_space<semaphore_mem>>)
      %dma_wait3A_110 = arith.constant 0 : i32
      %dma_wait3A_111 = arith.constant 0 : i32
      %dma_wait3A_112 = tpu.memref_slice %arg12[%dma_wait3A_110, %dma_wait3A_111] : memref<104x128xf32, #tpu.memory_space<vmem>> -> memref<16x128xf32, #tpu.memory_space<vmem>>
      %dma_wait3A_113 = arith.constant 9984 : i32
      %dma_wait3A_114 = tpu.memref_slice %arg8[%dma_wait3A_113] : memref<10000xi32, #tpu.memory_space<vmem>> -> memref<16xi32, #tpu.memory_space<vmem>>
      %dma_wait3A_115 = arith.constant 0 : i32
      %dma_wait3A_116 = arith.constant 0 : i32
      %dma_wait3A_117 = tpu.memref_slice %arg2[%dma_wait3A_115, %dma_wait3A_116] : memref<10000x128xf32, #tpu.memory_space<hbm>> -> memref<10000x128xf32, #tpu.memory_space<hbm>>
      tpu.wait_indirect_dma semaphore(%arg15 : memref<!tpu.dma_semaphore, #tpu.memory_space<semaphore_mem>>) src(%dma_wait3A_117 : memref<10000x128xf32, #tpu.memory_space<hbm>>) dst(%dma_wait3A_112 : memref<16x128xf32, #tpu.memory_space<vmem>>)
    } else {
    }
    %eq3A_66 = arith.constant 1 : i32
    %eq3A_67 = arith.cmpi eq, %arg0, %eq3A_66 : i32
    %convert_element_type3A_68 = arith.extui %eq3A_67 : i1 to i32
    %cond3A_69 = arith.constant 0 : i32
    %cond3A_70 = arith.cmpi ne, %convert_element_type3A_68, %cond3A_69 : i32
    scf.if %cond3A_70 {
      %dma_start3A_102 = arith.constant 0 : i32
      %dma_start3A_103 = arith.constant 0 : i32
      %dma_start3A_104 = tpu.memref_slice %arg12[%dma_start3A_102, %dma_start3A_103] : memref<104x128xf32, #tpu.memory_space<vmem>> -> memref<16x128xf32, #tpu.memory_space<vmem>>
      %dma_start3A_105 = arith.constant 9984 : i32
      %dma_start3A_106 = tpu.memref_slice %arg8[%dma_start3A_105] : memref<10000xi32, #tpu.memory_space<vmem>> -> memref<16xi32, #tpu.memory_space<vmem>>
      %dma_start3A_107 = arith.constant 0 : i32
      %dma_start3A_108 = arith.constant 0 : i32
      %dma_start3A_109 = tpu.memref_slice %arg3[%dma_start3A_107, %dma_start3A_108] : memref<10000x128xf32, #tpu.memory_space<hbm>> -> memref<10000x128xf32, #tpu.memory_space<hbm>>
      tpu.enqueue_indirect_dma source(%dma_start3A_109 : memref<10000x128xf32, #tpu.memory_space<hbm>>) target(%dma_start3A_104 : memref<16x128xf32, #tpu.memory_space<vmem>>) offsets(%dma_start3A_106 : memref<16xi32, #tpu.memory_space<vmem>>) semaphore(%arg15 : memref<!tpu.dma_semaphore, #tpu.memory_space<semaphore_mem>>)
      %dma_wait3A_110 = arith.constant 0 : i32
      %dma_wait3A_111 = arith.constant 0 : i32
      %dma_wait3A_112 = tpu.memref_slice %arg12[%dma_wait3A_110, %dma_wait3A_111] : memref<104x128xf32, #tpu.memory_space<vmem>> -> memref<16x128xf32, #tpu.memory_space<vmem>>
      %dma_wait3A_113 = arith.constant 9984 : i32
      %dma_wait3A_114 = tpu.memref_slice %arg8[%dma_wait3A_113] : memref<10000xi32, #tpu.memory_space<vmem>> -> memref<16xi32, #tpu.memory_space<vmem>>
      %dma_wait3A_115 = arith.constant 0 : i32
      %dma_wait3A_116 = arith.constant 0 : i32
      %dma_wait3A_117 = tpu.memref_slice %arg3[%dma_wait3A_115, %dma_wait3A_116] : memref<10000x128xf32, #tpu.memory_space<hbm>> -> memref<10000x128xf32, #tpu.memory_space<hbm>>
      tpu.wait_indirect_dma semaphore(%arg15 : memref<!tpu.dma_semaphore, #tpu.memory_space<semaphore_mem>>) src(%dma_wait3A_117 : memref<10000x128xf32, #tpu.memory_space<hbm>>) dst(%dma_wait3A_112 : memref<16x128xf32, #tpu.memory_space<vmem>>)
    } else {
    }
    "tpu.region"() ({
      %run_scoped3A = tpu.sem_alloc : memref<!tpu.dma_semaphore, #tpu.memory_space<semaphore_mem>>
      %dma_start3A_102 = arith.constant 0 : i32
      %dma_start3A_103 = arith.constant 0 : i32
      %dma_start3A_104 = tpu.memref_slice %arg12[%dma_start3A_102, %dma_start3A_103] : memref<104x128xf32, #tpu.memory_space<vmem>> -> memref<16x128xf32, #tpu.memory_space<vmem>>
      %dma_start3A_105 = arith.constant 0 : i32
      %dma_start3A_106 = arith.constant 0 : i32
      %dma_start3A_107 = tpu.memref_slice %arg13[%dma_start3A_105, %dma_start3A_106] : memref<10000x128xf32, #tpu.memory_space<vmem_shared>> -> memref<10000x128xf32, #tpu.memory_space<vmem_shared>>
      tpu.enqueue_indirect_dma source(%dma_start3A_104 : memref<16x128xf32, #tpu.memory_space<vmem>>) target(%dma_start3A_107 : memref<10000x128xf32, #tpu.memory_space<vmem_shared>>) offsets(%arg10 : memref<16xi32, #tpu.memory_space<vmem>>) semaphore(%run_scoped3A : memref<!tpu.dma_semaphore, #tpu.memory_space<semaphore_mem>>) {add = true}
      %dma_wait3A_108 = arith.constant 0 : i32
      %dma_wait3A_109 = arith.constant 0 : i32
      %dma_wait3A_110 = tpu.memref_slice %arg12[%dma_wait3A_108, %dma_wait3A_109] : memref<104x128xf32, #tpu.memory_space<vmem>> -> memref<16x128xf32, #tpu.memory_space<vmem>>
      %dma_wait3A_111 = arith.constant 0 : i32
      %dma_wait3A_112 = arith.constant 0 : i32
      %dma_wait3A_113 = tpu.memref_slice %arg13[%dma_wait3A_111, %dma_wait3A_112] : memref<10000x128xf32, #tpu.memory_space<vmem_shared>> -> memref<10000x128xf32, #tpu.memory_space<vmem_shared>>
      tpu.wait_indirect_dma semaphore(%run_scoped3A : memref<!tpu.dma_semaphore, #tpu.memory_space<semaphore_mem>>) src(%dma_wait3A_110 : memref<16x128xf32, #tpu.memory_space<vmem>>) dst(%dma_wait3A_113 : memref<10000x128xf32, #tpu.memory_space<vmem_shared>>)
      tpu.yield
    }) : () -> ()
    %barrier3A_71 = arith.constant 0 : index
    tpu.barrier barrier_id(%barrier3A_71)
    %eq3A_72 = arith.constant 0 : i32
    %eq3A_73 = arith.cmpi eq, %arg0, %eq3A_72 : i32
    %lt3A = arith.constant 15 : i32
    %lt3A_74 = arith.cmpi slt, %arg1, %lt3A : i32
    %and3A = arith.andi %eq3A_73, %lt3A_74 : i1
    %convert_element_type3A_75 = arith.extui %and3A : i1 to i32
    %cond3A_76 = arith.constant 0 : i32
    %cond3A_77 = arith.cmpi ne, %convert_element_type3A_75, %cond3A_76 : i32
    scf.if %cond3A_77 {
      "tpu.region"() ({
        %run_scoped3A = tpu.sem_alloc : memref<!tpu.dma_semaphore, #tpu.memory_space<semaphore_mem>>
        %dma_start3A_102 = arith.constant 0 : i32
        %dma_start3A_103 = tpu.memref_slice %arg6[%mul3A_17, %dma_start3A_102] : memref<10000x128xf32, #tpu.memory_space<hbm>> -> memref<624x128xf32, #tpu.memory_space<hbm>>
        %dma_start3A_104 = arith.constant 0 : i32
        %dma_start3A_105 = tpu.memref_slice %arg13[%mul3A_17, %dma_start3A_104] : memref<10000x128xf32, #tpu.memory_space<vmem_shared>> -> memref<624x128xf32, #tpu.memory_space<vmem_shared>>
        tpu.enqueue_dma source(%dma_start3A_105 : memref<624x128xf32, #tpu.memory_space<vmem_shared>>) target(%dma_start3A_103 : memref<624x128xf32, #tpu.memory_space<hbm>>) target_semaphore(%run_scoped3A : memref<!tpu.dma_semaphore, #tpu.memory_space<semaphore_mem>>)
        %dma_wait3A_106 = arith.constant 0 : i32
        %dma_wait3A_107 = tpu.memref_slice %arg6[%mul3A_17, %dma_wait3A_106] : memref<10000x128xf32, #tpu.memory_space<hbm>> -> memref<624x128xf32, #tpu.memory_space<hbm>>
        %dma_wait3A_108 = arith.constant 0 : i32
        %dma_wait3A_109 = tpu.memref_slice %arg13[%mul3A_17, %dma_wait3A_108] : memref<10000x128xf32, #tpu.memory_space<vmem_shared>> -> memref<624x128xf32, #tpu.memory_space<vmem_shared>>
        tpu.wait_dma2 semaphore(%run_scoped3A : memref<!tpu.dma_semaphore, #tpu.memory_space<semaphore_mem>>) src(%dma_wait3A_109 : memref<624x128xf32, #tpu.memory_space<vmem_shared>>) dst(%dma_wait3A_107 : memref<624x128xf32, #tpu.memory_space<hbm>>)
        tpu.yield
      }) : () -> ()
    } else {
    }
    %eq3A_78 = arith.constant 0 : i32
    %eq3A_79 = arith.cmpi eq, %arg0, %eq3A_78 : i32
    %eq3A_80 = arith.constant 15 : i32
    %eq3A_81 = arith.cmpi eq, %arg1, %eq3A_80 : i32
    %and3A_82 = arith.andi %eq3A_79, %eq3A_81 : i1
    %convert_element_type3A_83 = arith.extui %and3A_82 : i1 to i32
    %cond3A_84 = arith.constant 0 : i32
    %cond3A_85 = arith.cmpi ne, %convert_element_type3A_83, %cond3A_84 : i32
    scf.if %cond3A_85 {
      "tpu.region"() ({
        %run_scoped3A = tpu.sem_alloc : memref<!tpu.dma_semaphore, #tpu.memory_space<semaphore_mem>>
        %dma_start3A_102 = arith.constant 9360 : i32
        %dma_start3A_103 = arith.constant 0 : i32
        %dma_start3A_104 = tpu.memref_slice %arg6[%dma_start3A_102, %dma_start3A_103] : memref<10000x128xf32, #tpu.memory_space<hbm>> -> memref<640x128xf32, #tpu.memory_space<hbm>>
        %dma_start3A_105 = arith.constant 9360 : i32
        %dma_start3A_106 = arith.constant 0 : i32
        %dma_start3A_107 = tpu.memref_slice %arg13[%dma_start3A_105, %dma_start3A_106] : memref<10000x128xf32, #tpu.memory_space<vmem_shared>> -> memref<640x128xf32, #tpu.memory_space<vmem_shared>>
        tpu.enqueue_dma source(%dma_start3A_107 : memref<640x128xf32, #tpu.memory_space<vmem_shared>>) target(%dma_start3A_104 : memref<640x128xf32, #tpu.memory_space<hbm>>) target_semaphore(%run_scoped3A : memref<!tpu.dma_semaphore, #tpu.memory_space<semaphore_mem>>)
        %dma_wait3A_108 = arith.constant 9360 : i32
        %dma_wait3A_109 = arith.constant 0 : i32
        %dma_wait3A_110 = tpu.memref_slice %arg6[%dma_wait3A_108, %dma_wait3A_109] : memref<10000x128xf32, #tpu.memory_space<hbm>> -> memref<640x128xf32, #tpu.memory_space<hbm>>
        %dma_wait3A_111 = arith.constant 9360 : i32
        %dma_wait3A_112 = arith.constant 0 : i32
        %dma_wait3A_113 = tpu.memref_slice %arg13[%dma_wait3A_111, %dma_wait3A_112] : memref<10000x128xf32, #tpu.memory_space<vmem_shared>> -> memref<640x128xf32, #tpu.memory_space<vmem_shared>>
        tpu.wait_dma2 semaphore(%run_scoped3A : memref<!tpu.dma_semaphore, #tpu.memory_space<semaphore_mem>>) src(%dma_wait3A_113 : memref<640x128xf32, #tpu.memory_space<vmem_shared>>) dst(%dma_wait3A_110 : memref<640x128xf32, #tpu.memory_space<hbm>>)
        tpu.yield
      }) : () -> ()
    } else {
    }
    %eq3A_86 = arith.constant 1 : i32
    %eq3A_87 = arith.cmpi eq, %arg0, %eq3A_86 : i32
    %lt3A_88 = arith.constant 15 : i32
    %lt3A_89 = arith.cmpi slt, %arg1, %lt3A_88 : i32
    %and3A_90 = arith.andi %eq3A_87, %lt3A_89 : i1
    %convert_element_type3A_91 = arith.extui %and3A_90 : i1 to i32
    %cond3A_92 = arith.constant 0 : i32
    %cond3A_93 = arith.cmpi ne, %convert_element_type3A_91, %cond3A_92 : i32
    scf.if %cond3A_93 {
      "tpu.region"() ({
        %run_scoped3A = tpu.sem_alloc : memref<!tpu.dma_semaphore, #tpu.memory_space<semaphore_mem>>
        %dma_start3A_102 = arith.constant 0 : i32
        %dma_start3A_103 = tpu.memref_slice %arg7[%mul3A_17, %dma_start3A_102] : memref<10000x128xf32, #tpu.memory_space<hbm>> -> memref<624x128xf32, #tpu.memory_space<hbm>>
        %dma_start3A_104 = arith.constant 0 : i32
        %dma_start3A_105 = tpu.memref_slice %arg13[%mul3A_17, %dma_start3A_104] : memref<10000x128xf32, #tpu.memory_space<vmem_shared>> -> memref<624x128xf32, #tpu.memory_space<vmem_shared>>
        tpu.enqueue_dma source(%dma_start3A_105 : memref<624x128xf32, #tpu.memory_space<vmem_shared>>) target(%dma_start3A_103 : memref<624x128xf32, #tpu.memory_space<hbm>>) target_semaphore(%run_scoped3A : memref<!tpu.dma_semaphore, #tpu.memory_space<semaphore_mem>>)
        %dma_wait3A_106 = arith.constant 0 : i32
        %dma_wait3A_107 = tpu.memref_slice %arg7[%mul3A_17, %dma_wait3A_106] : memref<10000x128xf32, #tpu.memory_space<hbm>> -> memref<624x128xf32, #tpu.memory_space<hbm>>
        %dma_wait3A_108 = arith.constant 0 : i32
        %dma_wait3A_109 = tpu.memref_slice %arg13[%mul3A_17, %dma_wait3A_108] : memref<10000x128xf32, #tpu.memory_space<vmem_shared>> -> memref<624x128xf32, #tpu.memory_space<vmem_shared>>
        tpu.wait_dma2 semaphore(%run_scoped3A : memref<!tpu.dma_semaphore, #tpu.memory_space<semaphore_mem>>) src(%dma_wait3A_109 : memref<624x128xf32, #tpu.memory_space<vmem_shared>>) dst(%dma_wait3A_107 : memref<624x128xf32, #tpu.memory_space<hbm>>)
        tpu.yield
      }) : () -> ()
    } else {
    }
    %eq3A_94 = arith.constant 1 : i32
    %eq3A_95 = arith.cmpi eq, %arg0, %eq3A_94 : i32
    %eq3A_96 = arith.constant 15 : i32
    %eq3A_97 = arith.cmpi eq, %arg1, %eq3A_96 : i32
    %and3A_98 = arith.andi %eq3A_95, %eq3A_97 : i1
    %convert_element_type3A_99 = arith.extui %and3A_98 : i1 to i32
    %cond3A_100 = arith.constant 0 : i32
    %cond3A_101 = arith.cmpi ne, %convert_element_type3A_99, %cond3A_100 : i32
    scf.if %cond3A_101 {
      "tpu.region"() ({
        %run_scoped3A = tpu.sem_alloc : memref<!tpu.dma_semaphore, #tpu.memory_space<semaphore_mem>>
        %dma_start3A_102 = arith.constant 9360 : i32
        %dma_start3A_103 = arith.constant 0 : i32
        %dma_start3A_104 = tpu.memref_slice %arg7[%dma_start3A_102, %dma_start3A_103] : memref<10000x128xf32, #tpu.memory_space<hbm>> -> memref<640x128xf32, #tpu.memory_space<hbm>>
        %dma_start3A_105 = arith.constant 9360 : i32
        %dma_start3A_106 = arith.constant 0 : i32
        %dma_start3A_107 = tpu.memref_slice %arg13[%dma_start3A_105, %dma_start3A_106] : memref<10000x128xf32, #tpu.memory_space<vmem_shared>> -> memref<640x128xf32, #tpu.memory_space<vmem_shared>>
        tpu.enqueue_dma source(%dma_start3A_107 : memref<640x128xf32, #tpu.memory_space<vmem_shared>>) target(%dma_start3A_104 : memref<640x128xf32, #tpu.memory_space<hbm>>) target_semaphore(%run_scoped3A : memref<!tpu.dma_semaphore, #tpu.memory_space<semaphore_mem>>)
        %dma_wait3A_108 = arith.constant 9360 : i32
        %dma_wait3A_109 = arith.constant 0 : i32
        %dma_wait3A_110 = tpu.memref_slice %arg7[%dma_wait3A_108, %dma_wait3A_109] : memref<10000x128xf32, #tpu.memory_space<hbm>> -> memref<640x128xf32, #tpu.memory_space<hbm>>
        %dma_wait3A_111 = arith.constant 9360 : i32
        %dma_wait3A_112 = arith.constant 0 : i32
        %dma_wait3A_113 = tpu.memref_slice %arg13[%dma_wait3A_111, %dma_wait3A_112] : memref<10000x128xf32, #tpu.memory_space<vmem_shared>> -> memref<640x128xf32, #tpu.memory_space<vmem_shared>>
        tpu.wait_dma2 semaphore(%run_scoped3A : memref<!tpu.dma_semaphore, #tpu.memory_space<semaphore_mem>>) src(%dma_wait3A_113 : memref<640x128xf32, #tpu.memory_space<vmem_shared>>) dst(%dma_wait3A_110 : memref<640x128xf32, #tpu.memory_space<hbm>>)
        tpu.yield
      }) : () -> ()
    } else {
    }
    return
  }
}

#map = affine_map<(d0, d1) -> (0)>
module attributes {stable_mosaic.version = 14 : i64} {
  func.func @_deg_body(%arg0: i32, %arg1: i32, %arg2: memref<160000xi32, #tpu.memory_space<hbm>>, %arg3: memref<10240xf32, #tpu.memory_space<hbm>>, %arg4: memref<10240xf32, #tpu.memory_space<hbm>>, %arg5: memref<5000xi32, #tpu.memory_space<vmem>>, %arg6: memref<5000xf32, #tpu.memory_space<vmem>>, %arg7: memref<640xf32, #tpu.memory_space<vmem>>, %arg8: memref<10240xf32, #tpu.memory_space<vmem_shared>>) attributes {dimension_semantics = [#tpu.dimension_semantics<core_parallel>, #tpu.dimension_semantics<subcore_parallel>], iteration_bounds = array<i64: 2, 16>, scalar_prefetch = 0 : i64, scratch_operands = 4 : i64, tpu.core_type = #tpu.core_type<sc_vector_subcore>, window_params = [{transform_indices = #map}, {transform_indices = #map}, {transform_indices = #map}]} {
    %scan3A = arith.constant 0 : i32
    %scan3A_0 = arith.constant 0 : i32
    %scan3A_1 = arith.constant 312 : i32
    %scan3A_2 = arith.addi %scan3A_0, %scan3A_1 : i32
    %scan3A_3 = arith.constant 1 : i32
    %scan3A_4 = scf.for %scan3A_32 = %scan3A_0 to %scan3A_2 step %scan3A_3 iter_args(%scan3A_33 = %scan3A) -> (i32)  : i32 {
      %broadcast_in_dim3A_34 = arith.constant 1.000000e+00 : f32
      %broadcast_in_dim3A_35 = vector.broadcast %broadcast_in_dim3A_34 : f32 to vector<16xf32>
      %mul3A_36 = arith.constant 16 : i32
      %mul3A_37 = arith.muli %scan3A_32, %mul3A_36 : i32
      %swap3A_38 = arith.index_cast %mul3A_37 : i32 to index
      %swap3A_39 = tpu.vector_load %arg6[%swap3A_38] {strides = array<i32>} : memref<5000xf32, #tpu.memory_space<vmem>>, vector<16xf32>,
      %swap3A_40 = vector.shape_cast %swap3A_39 : vector<16xf32> to vector<16xf32>
      %swap3A_41 = vector.shape_cast %broadcast_in_dim3A_35 : vector<16xf32> to vector<16xf32>
      tpu.vector_store %arg6[%swap3A_38], %swap3A_41 {strides = array<i32>} : memref<5000xf32, #tpu.memory_space<vmem>>, vector<16xf32>,
      %scan3A_42 = arith.constant 0 : i32
      scf.yield %scan3A_42 : i32
    }
    %scan3A_5 = arith.constant 312 : i32
    %broadcast_in_dim3A = arith.constant 1.000000e+00 : f32
    %broadcast_in_dim3A_6 = vector.broadcast %broadcast_in_dim3A : f32 to vector<16xf32>
    %swap3A = arith.constant 4984 : index
    %swap3A_7 = tpu.vector_load %arg6[%swap3A] {strides = array<i32>} : memref<5000xf32, #tpu.memory_space<vmem>>, vector<16xf32>,
    %swap3A_8 = vector.shape_cast %swap3A_7 : vector<16xf32> to vector<16xf32>
    %swap3A_9 = vector.shape_cast %broadcast_in_dim3A_6 : vector<16xf32> to vector<16xf32>
    tpu.vector_store %arg6[%swap3A], %swap3A_9 {strides = array<i32>} : memref<5000xf32, #tpu.memory_space<vmem>>, vector<16xf32>,
    %scan3A_10 = arith.constant 0 : i32
    %scan3A_11 = arith.constant 0 : i32
    %scan3A_12 = arith.constant 40 : i32
    %scan3A_13 = arith.addi %scan3A_11, %scan3A_12 : i32
    %scan3A_14 = arith.constant 1 : i32
    %scan3A_15 = scf.for %scan3A_32 = %scan3A_11 to %scan3A_13 step %scan3A_14 iter_args(%scan3A_33 = %scan3A_10) -> (i32)  : i32 {
      %broadcast_in_dim3A_34 = arith.constant 0.000000e+00 : f32
      %broadcast_in_dim3A_35 = vector.broadcast %broadcast_in_dim3A_34 : f32 to vector<16xf32>
      %mul3A_36 = arith.constant 16 : i32
      %mul3A_37 = arith.muli %scan3A_32, %mul3A_36 : i32
      %swap3A_38 = arith.index_cast %mul3A_37 : i32 to index
      %swap3A_39 = tpu.vector_load %arg7[%swap3A_38] {strides = array<i32>} : memref<640xf32, #tpu.memory_space<vmem>>, vector<16xf32>,
      %swap3A_40 = vector.shape_cast %swap3A_39 : vector<16xf32> to vector<16xf32>
      %swap3A_41 = vector.shape_cast %broadcast_in_dim3A_35 : vector<16xf32> to vector<16xf32>
      tpu.vector_store %arg7[%swap3A_38], %swap3A_41 {strides = array<i32>} : memref<640xf32, #tpu.memory_space<vmem>>, vector<16xf32>,
      %scan3A_42 = arith.constant 0 : i32
      scf.yield %scan3A_42 : i32
    }
    %scan3A_16 = arith.constant 40 : i32
    %mul3A = arith.constant 640 : i32
    %mul3A_17 = arith.muli %arg1, %mul3A : i32
    "tpu.region"() ({
      %run_scoped3A = tpu.sem_alloc : memref<!tpu.dma_semaphore, #tpu.memory_space<semaphore_mem>>
      %dma_start3A = tpu.memref_slice %arg8[%mul3A_17] : memref<10240xf32, #tpu.memory_space<vmem_shared>> -> memref<640xf32, #tpu.memory_space<vmem_shared>>
      %dma_start3A_32 = tpu.memref_slice %arg8[%mul3A_17] : memref<10240xf32, #tpu.memory_space<vmem_shared>> -> memref<640xf32, #tpu.memory_space<vmem_shared>>
      tpu.enqueue_dma source(%arg7 : memref<640xf32, #tpu.memory_space<vmem>>) target(%dma_start3A_32 : memref<640xf32, #tpu.memory_space<vmem_shared>>) target_semaphore(%run_scoped3A : memref<!tpu.dma_semaphore, #tpu.memory_space<semaphore_mem>>)
      %dma_wait3A = tpu.memref_slice %arg8[%mul3A_17] : memref<10240xf32, #tpu.memory_space<vmem_shared>> -> memref<640xf32, #tpu.memory_space<vmem_shared>>
      %dma_wait3A_33 = tpu.memref_slice %arg8[%mul3A_17] : memref<10240xf32, #tpu.memory_space<vmem_shared>> -> memref<640xf32, #tpu.memory_space<vmem_shared>>
      tpu.wait_dma2 semaphore(%run_scoped3A : memref<!tpu.dma_semaphore, #tpu.memory_space<semaphore_mem>>) src(%arg7 : memref<640xf32, #tpu.memory_space<vmem>>) dst(%dma_wait3A_33 : memref<640xf32, #tpu.memory_space<vmem_shared>>)
      tpu.yield
    }) : () -> ()
    %barrier3A = arith.constant 0 : index
    tpu.barrier barrier_id(%barrier3A)
    %mul3A_18 = arith.constant 80000 : i32
    %mul3A_19 = arith.muli %arg0, %mul3A_18 : i32
    %mul3A_20 = arith.constant 5000 : i32
    %mul3A_21 = arith.muli %arg1, %mul3A_20 : i32
    %add3A = arith.addi %mul3A_19, %mul3A_21 : i32
    "tpu.region"() ({
      %run_scoped3A = tpu.sem_alloc : memref<!tpu.dma_semaphore, #tpu.memory_space<semaphore_mem>>
      %dma_start3A = tpu.memref_slice %arg2[%add3A] : memref<160000xi32, #tpu.memory_space<hbm>> -> memref<5000xi32, #tpu.memory_space<hbm>>
      %dma_start3A_32 = tpu.memref_slice %arg2[%add3A] : memref<160000xi32, #tpu.memory_space<hbm>> -> memref<5000xi32, #tpu.memory_space<hbm>>
      tpu.enqueue_dma source(%dma_start3A_32 : memref<5000xi32, #tpu.memory_space<hbm>>) target(%arg5 : memref<5000xi32, #tpu.memory_space<vmem>>) target_semaphore(%run_scoped3A : memref<!tpu.dma_semaphore, #tpu.memory_space<semaphore_mem>>)
      %dma_wait3A = tpu.memref_slice %arg2[%add3A] : memref<160000xi32, #tpu.memory_space<hbm>> -> memref<5000xi32, #tpu.memory_space<hbm>>
      %dma_wait3A_33 = tpu.memref_slice %arg2[%add3A] : memref<160000xi32, #tpu.memory_space<hbm>> -> memref<5000xi32, #tpu.memory_space<hbm>>
      tpu.wait_dma2 semaphore(%run_scoped3A : memref<!tpu.dma_semaphore, #tpu.memory_space<semaphore_mem>>) src(%dma_wait3A_33 : memref<5000xi32, #tpu.memory_space<hbm>>) dst(%arg5 : memref<5000xi32, #tpu.memory_space<vmem>>)
      tpu.yield
    }) : () -> ()
    "tpu.region"() ({
      %run_scoped3A = tpu.sem_alloc : memref<!tpu.dma_semaphore, #tpu.memory_space<semaphore_mem>>
      %dma_start3A = arith.constant 0 : i32
      %dma_start3A_32 = tpu.memref_slice %arg8[%dma_start3A] : memref<10240xf32, #tpu.memory_space<vmem_shared>> -> memref<10240xf32, #tpu.memory_space<vmem_shared>>
      tpu.enqueue_indirect_dma source(%arg6 : memref<5000xf32, #tpu.memory_space<vmem>>) target(%dma_start3A_32 : memref<10240xf32, #tpu.memory_space<vmem_shared>>) offsets(%arg5 : memref<5000xi32, #tpu.memory_space<vmem>>) semaphore(%run_scoped3A : memref<!tpu.dma_semaphore, #tpu.memory_space<semaphore_mem>>) {add = true}
      %dma_wait3A = arith.constant 0 : i32
      %dma_wait3A_33 = tpu.memref_slice %arg8[%dma_wait3A] : memref<10240xf32, #tpu.memory_space<vmem_shared>> -> memref<10240xf32, #tpu.memory_space<vmem_shared>>
      tpu.wait_indirect_dma semaphore(%run_scoped3A : memref<!tpu.dma_semaphore, #tpu.memory_space<semaphore_mem>>) src(%arg6 : memref<5000xf32, #tpu.memory_space<vmem>>) dst(%dma_wait3A_33 : memref<10240xf32, #tpu.memory_space<vmem_shared>>)
      tpu.yield
    }) : () -> ()
    %barrier3A_22 = arith.constant 0 : index
    tpu.barrier barrier_id(%barrier3A_22)
    %mul3A_23 = arith.constant 640 : i32
    %mul3A_24 = arith.muli %arg1, %mul3A_23 : i32
    "tpu.region"() ({
      %run_scoped3A = tpu.sem_alloc : memref<!tpu.dma_semaphore, #tpu.memory_space<semaphore_mem>>
      %dma_start3A = tpu.memref_slice %arg8[%mul3A_24] : memref<10240xf32, #tpu.memory_space<vmem_shared>> -> memref<640xf32, #tpu.memory_space<vmem_shared>>
      %dma_start3A_32 = tpu.memref_slice %arg8[%mul3A_24] : memref<10240xf32, #tpu.memory_space<vmem_shared>> -> memref<640xf32, #tpu.memory_space<vmem_shared>>
      tpu.enqueue_dma source(%dma_start3A_32 : memref<640xf32, #tpu.memory_space<vmem_shared>>) target(%arg7 : memref<640xf32, #tpu.memory_space<vmem>>) target_semaphore(%run_scoped3A : memref<!tpu.dma_semaphore, #tpu.memory_space<semaphore_mem>>)
      %dma_wait3A = tpu.memref_slice %arg8[%mul3A_24] : memref<10240xf32, #tpu.memory_space<vmem_shared>> -> memref<640xf32, #tpu.memory_space<vmem_shared>>
      %dma_wait3A_33 = tpu.memref_slice %arg8[%mul3A_24] : memref<10240xf32, #tpu.memory_space<vmem_shared>> -> memref<640xf32, #tpu.memory_space<vmem_shared>>
      tpu.wait_dma2 semaphore(%run_scoped3A : memref<!tpu.dma_semaphore, #tpu.memory_space<semaphore_mem>>) src(%dma_wait3A_33 : memref<640xf32, #tpu.memory_space<vmem_shared>>) dst(%arg7 : memref<640xf32, #tpu.memory_space<vmem>>)
      tpu.yield
    }) : () -> ()
    %eq3A = arith.constant 0 : i32
    %eq3A_25 = arith.cmpi eq, %arg0, %eq3A : i32
    %convert_element_type3A = arith.extui %eq3A_25 : i1 to i32
    %cond3A = arith.constant 0 : i32
    %cond3A_26 = arith.cmpi ne, %convert_element_type3A, %cond3A : i32
    scf.if %cond3A_26 {
      %mul3A_32 = arith.constant 640 : i32
      %mul3A_33 = arith.muli %arg1, %mul3A_32 : i32
      "tpu.region"() ({
        %run_scoped3A = tpu.sem_alloc : memref<!tpu.dma_semaphore, #tpu.memory_space<semaphore_mem>>
        %dma_start3A = tpu.memref_slice %arg3[%mul3A_33] : memref<10240xf32, #tpu.memory_space<hbm>> -> memref<640xf32, #tpu.memory_space<hbm>>
        %dma_start3A_34 = tpu.memref_slice %arg3[%mul3A_33] : memref<10240xf32, #tpu.memory_space<hbm>> -> memref<640xf32, #tpu.memory_space<hbm>>
        tpu.enqueue_dma source(%arg7 : memref<640xf32, #tpu.memory_space<vmem>>) target(%dma_start3A_34 : memref<640xf32, #tpu.memory_space<hbm>>) target_semaphore(%run_scoped3A : memref<!tpu.dma_semaphore, #tpu.memory_space<semaphore_mem>>)
        %dma_wait3A = tpu.memref_slice %arg3[%mul3A_33] : memref<10240xf32, #tpu.memory_space<hbm>> -> memref<640xf32, #tpu.memory_space<hbm>>
        %dma_wait3A_35 = tpu.memref_slice %arg3[%mul3A_33] : memref<10240xf32, #tpu.memory_space<hbm>> -> memref<640xf32, #tpu.memory_space<hbm>>
        tpu.wait_dma2 semaphore(%run_scoped3A : memref<!tpu.dma_semaphore, #tpu.memory_space<semaphore_mem>>) src(%arg7 : memref<640xf32, #tpu.memory_space<vmem>>) dst(%dma_wait3A_35 : memref<640xf32, #tpu.memory_space<hbm>>)
        tpu.yield
      }) : () -> ()
    } else {
    }
    %eq3A_27 = arith.constant 1 : i32
    %eq3A_28 = arith.cmpi eq, %arg0, %eq3A_27 : i32
    %convert_element_type3A_29 = arith.extui %eq3A_28 : i1 to i32
    %cond3A_30 = arith.constant 0 : i32
    %cond3A_31 = arith.cmpi ne, %convert_element_type3A_29, %cond3A_30 : i32
    scf.if %cond3A_31 {
      %mul3A_32 = arith.constant 640 : i32
      %mul3A_33 = arith.muli %arg1, %mul3A_32 : i32
      "tpu.region"() ({
        %run_scoped3A = tpu.sem_alloc : memref<!tpu.dma_semaphore, #tpu.memory_space<semaphore_mem>>
        %dma_start3A = tpu.memref_slice %arg4[%mul3A_33] : memref<10240xf32, #tpu.memory_space<hbm>> -> memref<640xf32, #tpu.memory_space<hbm>>
        %dma_start3A_34 = tpu.memref_slice %arg4[%mul3A_33] : memref<10240xf32, #tpu.memory_space<hbm>> -> memref<640xf32, #tpu.memory_space<hbm>>
        tpu.enqueue_dma source(%arg7 : memref<640xf32, #tpu.memory_space<vmem>>) target(%dma_start3A_34 : memref<640xf32, #tpu.memory_space<hbm>>) target_semaphore(%run_scoped3A : memref<!tpu.dma_semaphore, #tpu.memory_space<semaphore_mem>>)
        %dma_wait3A = tpu.memref_slice %arg4[%mul3A_33] : memref<10240xf32, #tpu.memory_space<hbm>> -> memref<640xf32, #tpu.memory_space<hbm>>
        %dma_wait3A_35 = tpu.memref_slice %arg4[%mul3A_33] : memref<10240xf32, #tpu.memory_space<hbm>> -> memref<640xf32, #tpu.memory_space<hbm>>
        tpu.wait_dma2 semaphore(%run_scoped3A : memref<!tpu.dma_semaphore, #tpu.memory_space<semaphore_mem>>) src(%arg7 : memref<640xf32, #tpu.memory_space<vmem>>) dst(%dma_wait3A_35 : memref<640xf32, #tpu.memory_space<hbm>>)
        tpu.yield
      }) : () -> ()
    } else {
    }
    return
  }
}

module attributes {stable_mosaic.version = 14 : i64} {
  func.func @_mm_body(%arg0: i32, %arg1: memref<1000x256xf32, #tpu.memory_space<vmem>>, %arg2: memref<256x256xf32, #tpu.memory_space<vmem>>, %arg3: memref<1000x1xf32, #tpu.memory_space<vmem>>, %arg4: memref<1000x1xf32, #tpu.memory_space<vmem>>, %arg5: memref<1000x128xf32, #tpu.memory_space<vmem>>, %arg6: memref<1000x128xf32, #tpu.memory_space<vmem>>, %arg7: memref<1000x1xf32, #tpu.memory_space<vmem>>) attributes {dimension_semantics = [#tpu.dimension_semantics<arbitrary>], iteration_bounds = array<i64: 10>, scalar_prefetch = 0 : i64, scratch_operands = 0 : i64, tpu.core_type = #tpu.core_type<tc>, window_params = [{transform_indices = @transform_0, window_bounds = array<i64: 1000, 256>}, {pipeline_mode = #tpu.pipeline_mode<synchronous>, transform_indices = @transform_1, window_bounds = array<i64: 256, 256>}, {transform_indices = @transform_2, window_bounds = array<i64: 1000, 1>}, {transform_indices = @transform_3, window_bounds = array<i64: 1000, 1>}, {transform_indices = @transform_4, window_bounds = array<i64: 1000, 128>}, {transform_indices = @transform_5, window_bounds = array<i64: 1000, 128>}, {transform_indices = @transform_6, window_bounds = array<i64: 1000, 1>}]} {
    %get3A = arith.constant 0 : index
    %get3A_0 = arith.constant 0 : index
    %get3A_1 = vector.load %arg3[%get3A, %get3A_0] : memref<1000x1xf32, #tpu.memory_space<vmem>>, vector<1000x1xf32>
    %get3A_2 = arith.constant 0 : index
    %get3A_3 = arith.constant 0 : index
    %get3A_4 = vector.load %arg4[%get3A_2, %get3A_3] : memref<1000x1xf32, #tpu.memory_space<vmem>>, vector<1000x1xf32>
    %add3A = arith.addf %get3A_1, %get3A_4 : vector<1000x1xf32>
    %add3A_5 = arith.constant 1.000000e+00 : f32
    %add3A_6 = vector.broadcast %add3A_5 : f32 to vector<1000x1xf32>
    %add3A_7 = arith.addf %add3A, %add3A_6 : vector<1000x1xf32>
    %rsqrt3A = math.rsqrt %add3A_7 : vector<1000x1xf32>
    %get3A_8 = arith.constant 0 : index
    %get3A_9 = arith.constant 0 : index
    %get3A_10 = vector.load %arg1[%get3A_8, %get3A_9] : memref<1000x256xf32, #tpu.memory_space<vmem>>, vector<1000x256xf32>
    %get3A_11 = arith.constant 0 : index
    %get3A_12 = arith.constant 0 : index
    %get3A_13 = vector.load %arg2[%get3A_11, %get3A_12] : memref<256x256xf32, #tpu.memory_space<vmem>>, vector<256x256xf32>
    %dot_general3A = arith.constant dense<0.000000e+00> : vector<1000x256xf32>
    %dot_general3A_14 = tpu.matmul %get3A_10, %get3A_13, %dot_general3A {dimension_numbers = #tpu.dot_dimension_numbers<[1], [0], [0], [1], [0, 0, 1, 1], [], []>, transpose_lhs_hint = false} : vector<1000x256xf32>, vector<256x256xf32>, vector<1000x256xf32> -> vector<1000x256xf32>
    %mul3A = vector.broadcast %rsqrt3A : vector<1000x1xf32> to vector<1000x256xf32>
    %mul3A_15 = arith.mulf %dot_general3A_14, %mul3A : vector<1000x256xf32>
    %slice3A = vector.extract_strided_slice %mul3A_15 {offsets = [0, 0], sizes = [1000, 128], strides = [1, 1]} : vector<1000x256xf32> to vector<1000x128xf32>
    %swap3A = arith.constant 0 : index
    %swap3A_16 = arith.constant 0 : index
    %swap3A_17 = vector.load %arg5[%swap3A, %swap3A_16] : memref<1000x128xf32, #tpu.memory_space<vmem>>, vector<1000x128xf32>
    tpu.vector_store %arg5[%swap3A, %swap3A_16], %slice3A {strides = array<i32>} : memref<1000x128xf32, #tpu.memory_space<vmem>>, vector<1000x128xf32>,
    %slice3A_18 = vector.extract_strided_slice %mul3A_15 {offsets = [0, 128], sizes = [1000, 128], strides = [1, 1]} : vector<1000x256xf32> to vector<1000x128xf32>
    %swap3A_19 = arith.constant 0 : index
    %swap3A_20 = arith.constant 0 : index
    %swap3A_21 = vector.load %arg6[%swap3A_19, %swap3A_20] : memref<1000x128xf32, #tpu.memory_space<vmem>>, vector<1000x128xf32>
    tpu.vector_store %arg6[%swap3A_19, %swap3A_20], %slice3A_18 {strides = array<i32>} : memref<1000x128xf32, #tpu.memory_space<vmem>>, vector<1000x128xf32>,
    %swap3A_22 = arith.constant 0 : index
    %swap3A_23 = arith.constant 0 : index
    %swap3A_24 = vector.load %arg7[%swap3A_22, %swap3A_23] : memref<1000x1xf32, #tpu.memory_space<vmem>>, vector<1000x1xf32>
    tpu.vector_store %arg7[%swap3A_22, %swap3A_23], %rsqrt3A {strides = array<i32>} : memref<1000x1xf32, #tpu.memory_space<vmem>>, vector<1000x1xf32>,
    return
  }
  func.func @transform_0(%arg0: i32) -> (i32, i32) {
    %c0_i32 = arith.constant 0 : i32
    %c0_i32_0 = arith.constant 0 : i32
    return %arg0, %c0_i32 : i32, i32
  }
  func.func @transform_1(%arg0: i32) -> (i32, i32) {
    %c0_i32 = arith.constant 0 : i32
    %c0_i32_0 = arith.constant 0 : i32
    %c0_i32_1 = arith.constant 0 : i32
    return %c0_i32, %c0_i32_0 : i32, i32
  }
  func.func @transform_2(%arg0: i32) -> (i32, i32) {
    %c0_i32 = arith.constant 0 : i32
    %c0_i32_0 = arith.constant 0 : i32
    return %arg0, %c0_i32 : i32, i32
  }
  func.func @transform_3(%arg0: i32) -> (i32, i32) {
    %c0_i32 = arith.constant 0 : i32
    %c0_i32_0 = arith.constant 0 : i32
    return %arg0, %c0_i32 : i32, i32
  }
  func.func @transform_4(%arg0: i32) -> (i32, i32) {
    %c0_i32 = arith.constant 0 : i32
    %c0_i32_0 = arith.constant 0 : i32
    return %arg0, %c0_i32 : i32, i32
  }
  func.func @transform_5(%arg0: i32) -> (i32, i32) {
    %c0_i32 = arith.constant 0 : i32
    %c0_i32_0 = arith.constant 0 : i32
    return %arg0, %c0_i32 : i32, i32
  }
  func.func @transform_6(%arg0: i32) -> (i32, i32) {
    %c0_i32 = arith.constant 0 : i32
    %c0_i32_0 = arith.constant 0 : i32
    return %arg0, %c0_i32 : i32, i32
  }
}

module attributes {stable_mosaic.version = 14 : i64} {
  func.func @_fin_body(%arg0: i32, %arg1: memref<1000x128xf32, #tpu.memory_space<vmem>>, %arg2: memref<1000x128xf32, #tpu.memory_space<vmem>>, %arg3: memref<1000x128xf32, #tpu.memory_space<vmem>>, %arg4: memref<1000x128xf32, #tpu.memory_space<vmem>>, %arg5: memref<1000x1xf32, #tpu.memory_space<vmem>>, %arg6: memref<1x256xf32, #tpu.memory_space<vmem>>, %arg7: memref<1000x256xf32, #tpu.memory_space<vmem>>) attributes {dimension_semantics = [#tpu.dimension_semantics<arbitrary>], iteration_bounds = array<i64: 10>, scalar_prefetch = 0 : i64, scratch_operands = 0 : i64, tpu.core_type = #tpu.core_type<tc>, window_params = [{transform_indices = @transform_0, window_bounds = array<i64: 1000, 128>}, {transform_indices = @transform_1, window_bounds = array<i64: 1000, 128>}, {transform_indices = @transform_2, window_bounds = array<i64: 1000, 128>}, {transform_indices = @transform_3, window_bounds = array<i64: 1000, 128>}, {transform_indices = @transform_4, window_bounds = array<i64: 1000, 1>}, {pipeline_mode = #tpu.pipeline_mode<synchronous>, transform_indices = @transform_5, window_bounds = array<i64: 1, 256>}, {transform_indices = @transform_6, window_bounds = array<i64: 1000, 256>}]} {
    %get3A = arith.constant 0 : index
    %get3A_0 = arith.constant 0 : index
    %get3A_1 = vector.load %arg5[%get3A, %get3A_0] : memref<1000x1xf32, #tpu.memory_space<vmem>>, vector<1000x1xf32>
    %get3A_2 = arith.constant 0 : index
    %get3A_3 = arith.constant 0 : index
    %get3A_4 = vector.load %arg1[%get3A_2, %get3A_3] : memref<1000x128xf32, #tpu.memory_space<vmem>>, vector<1000x128xf32>
    %get3A_5 = arith.constant 0 : index
    %get3A_6 = arith.constant 0 : index
    %get3A_7 = vector.load %arg3[%get3A_5, %get3A_6] : memref<1000x128xf32, #tpu.memory_space<vmem>>, vector<1000x128xf32>
    %add3A = arith.addf %get3A_4, %get3A_7 : vector<1000x128xf32>
    %mul3A = vector.broadcast %get3A_1 : vector<1000x1xf32> to vector<1000x128xf32>
    %mul3A_8 = arith.mulf %add3A, %mul3A : vector<1000x128xf32>
    %get3A_9 = arith.constant 0 : index
    %get3A_10 = arith.constant 0 : index
    %get3A_11 = vector.load %arg2[%get3A_9, %get3A_10] : memref<1000x128xf32, #tpu.memory_space<vmem>>, vector<1000x128xf32>
    %get3A_12 = arith.constant 0 : index
    %get3A_13 = arith.constant 0 : index
    %get3A_14 = vector.load %arg4[%get3A_12, %get3A_13] : memref<1000x128xf32, #tpu.memory_space<vmem>>, vector<1000x128xf32>
    %add3A_15 = arith.addf %get3A_11, %get3A_14 : vector<1000x128xf32>
    %mul3A_16 = vector.broadcast %get3A_1 : vector<1000x1xf32> to vector<1000x128xf32>
    %mul3A_17 = arith.mulf %add3A_15, %mul3A_16 : vector<1000x128xf32>
    %concatenate3A = tpu.concatenate %mul3A_8, %mul3A_17 in 1 : vector<1000x128xf32>, vector<1000x128xf32> -> vector<1000x256xf32>
    %get3A_18 = arith.constant 0 : index
    %get3A_19 = arith.constant 0 : index
    %get3A_20 = vector.load %arg6[%get3A_18, %get3A_19] : memref<1x256xf32, #tpu.memory_space<vmem>>, vector<1x256xf32>
    %add3A_21 = vector.broadcast %get3A_20 : vector<1x256xf32> to vector<1000x256xf32>
    %add3A_22 = arith.addf %concatenate3A, %add3A_21 : vector<1000x256xf32>
    %swap3A = arith.constant 0 : index
    %swap3A_23 = arith.constant 0 : index
    %swap3A_24 = vector.load %arg7[%swap3A, %swap3A_23] : memref<1000x256xf32, #tpu.memory_space<vmem>>, vector<1000x256xf32>
    tpu.vector_store %arg7[%swap3A, %swap3A_23], %add3A_22 {strides = array<i32>} : memref<1000x256xf32, #tpu.memory_space<vmem>>, vector<1000x256xf32>,
    return
  }
  func.func @transform_0(%arg0: i32) -> (i32, i32) {
    %c0_i32 = arith.constant 0 : i32
    %c0_i32_0 = arith.constant 0 : i32
    return %arg0, %c0_i32 : i32, i32
  }
  func.func @transform_1(%arg0: i32) -> (i32, i32) {
    %c0_i32 = arith.constant 0 : i32
    %c0_i32_0 = arith.constant 0 : i32
    return %arg0, %c0_i32 : i32, i32
  }
  func.func @transform_2(%arg0: i32) -> (i32, i32) {
    %c0_i32 = arith.constant 0 : i32
    %c0_i32_0 = arith.constant 0 : i32
    return %arg0, %c0_i32 : i32, i32
  }
  func.func @transform_3(%arg0: i32) -> (i32, i32) {
    %c0_i32 = arith.constant 0 : i32
    %c0_i32_0 = arith.constant 0 : i32
    return %arg0, %c0_i32 : i32, i32
  }
  func.func @transform_4(%arg0: i32) -> (i32, i32) {
    %c0_i32 = arith.constant 0 : i32
    %c0_i32_0 = arith.constant 0 : i32
    return %arg0, %c0_i32 : i32, i32
  }
  func.func @transform_5(%arg0: i32) -> (i32, i32) {
    %c0_i32 = arith.constant 0 : i32
    %c0_i32_0 = arith.constant 0 : i32
    %c0_i32_1 = arith.constant 0 : i32
    return %c0_i32, %c0_i32_0 : i32, i32
  }
  func.func @transform_6(%arg0: i32) -> (i32, i32) {
    %c0_i32 = arith.constant 0 : i32
    %c0_i32_0 = arith.constant 0 : i32
    return %arg0, %c0_i32 : i32, i32
  }
}

</mosaic_0001>

<sc_bundles>
// kernel: kernel.6.cloned.1.call-start
scs
__scs_entry_jumppad:
0x0: {  	(pc) =	sbr.rel $0x88, $3  }
0x1: {  	(tag) =	ssettag $0x0;
	lr =	simm.s32 $0x1  }
0x2: {  	[smem:$0x3F9D] =	sst lr;
	_ =	strace $0xD0000000  }
0x3: {  	_ = 	snop  }
0x4: {  	_ = 	snop  }
0x5: {  	_ = 	snop  }
0x6: {  	_ = 	snop  }
0x7: {  	_ = 	snop  }
__scs_overlays_trampoline_lowered:
0x8: {  	[smem:$0x3FAC] =	sst s0  }
0x9: {  	[smem:$0x3FAD] =	sst s1  }
0xa: {  	[smem:$0x3FAE] =	sst s2  }
0xb: {  	[smem:$0x3FAF] =	sst s3  }
0xc: {  	[smem:$0x3FB0] =	sst s4  }
0xd: {  	[smem:$0x3FB1] =	sst s5  }
0xe: {  	[smem:$0x3FB2] =	sst s6  }
0xf: {  	[smem:$0x3FB3] =	sst s7  }
0x10: {  	[smem:$0x3FB4] =	sst s8  }
0x11: {  	[smem:$0x3FB5] =	sst s9;
	s0 =	simm.s32 @!p0 $0x0  }
0x12: {  	s1 =	sld [smem:$0x3F9B];
	s0 =	simm.s32 @p0 $0x1  }
0x13: {  	[smem:$0x3FB6] =	sst s0;
	s0 =	simm.s32 @!p1 $0x0  }
0x14: {  	s2 =	sld [smem:$0x3F9A];
	s0 =	simm.s32 @p1 $0x1  }
0x15: {  	[smem:$0x3FB7] =	sst s0;
	s0 =	simm.s32 @!p2 $0x0  }
0x16: {  	s3 =	sld [smem:$0x3FDB];
	s0 =	simm.s32 @p2 $0x1  }
0x17: {  	s4 =	simm.s32 $0x1BF5;
	[smem:$0x3FB9] =	sst s0  }
0x18: {  	s0 =	sld [smem:$0x3F9C];
	_ =	swait.ge [sflag:s4], $0x0  }
0x19: {  	s7 =	sld [smem:$0x3F9D]  }
0x1a: {  	s8 =	sadd.s32 $0xFFFFE003, lr  }
0x1b: {  	s9 =	sadd.s32 $0xFFFFFEF7, lr;
	s5 =	simm.s32 $0xFFFFFFFF;
	p2 =	slt.u32 s8, $0xFFFFF086  }
0x1c: {  	p1 =	slt.u32 s9, $0xF7A;
	s5 =	simm.s32 @!p2 $0x0  }
0x1d: {  	s5 =	simm.s32 @p1 $0x1;
	p0 =	seq.s32 s7, s2  }
0x1e: {  	s7 =	smul.u32 @!p0 $0xF7A, s2;
	p2 =	seq.s32 @!p0 s5, $0x0  }
0x1f: {  	s9 =	smul.u32 $0xF7A, s1;
	s8 =	simm.s32 @!p0 $0x1BF5;
	p2 =	por !p2, p0  }
0x20: {  	[sflag:s8] =	ssyncset.s32 @!p0 $0xFFFFF086;
	s6 =	sadd.s32 @!p0 s3, s7;
	s7 =	simm.s32 @!p0 $0x108  }
0x21: {  	s3 =	sadd.s32 s3, s9;
	s6 =	sadd.s32 @!p0 $0x88, s6;
	s7 =	simm.s32 @p2 $0x1082  }
0x22: {  	[simem:s7], [sflag:s8] =	dma.local @!p0 [hbm:s6], $0xF7A  }
0x23: {  	s9 =	sor.u32 $0xD0000000, s2;
	s6 =	simm.s32 $0x108;
	_ =	swait.ge @!p0 [sflag:s8], $0x0  }
0x24: {  	s3 =	sadd.s32 $0x88, s3;
	s6 =	simm.s32 @!p1 $0x1082;
	[sflag:s4] =	ssyncset.s32 $0xFFFFF086  }
0x25: {  	[simem:s6], [sflag:s4] =	dma.local [hbm:s3], $0xF7A  }
0x26: {  	[smem:$0x3F9D] =	sst s1;
	(tag) =	ssettag s2;
	_ =	strace s9  }
0x27: {  	s1 =	sld [smem:$0x3FAD]  }
0x28: {  	s2 =	sld [smem:$0x3FAE]  }
0x29: {  	s4 =	sld [smem:$0x3FB0]  }
0x2a: {  	p0 =	seq.s32 s5, $0x0;
	s5 =	sld [smem:$0x3FB1]  }
0x2b: {  	s6 =	sld [smem:$0x3FB2]  }
0x2c: {  	s7 =	sld [smem:$0x3FB3]  }
0x2d: {  	s3 =	simm.s32 $0x108;
	s8 =	sld [smem:$0x3FB4]  }
0x2e: {  	s3 =	simm.s32 @!p0 $0x1082;
	s9 =	sld [smem:$0x3FB5]  }
0x2f: {  	lr =	sadd.s32 s0, s3;
	s0 =	sld [smem:$0x3FAC]  }
0x30: {  	s3 =	sld [smem:$0x3FAF]  }
0x31: {  	[smem:$0x3FB8] =	sst s10  }
0x32: {  	s10 =	sld [smem:$0x3FB6];
	_ =	sdelay $0x3  }
0x33: {  	p0 =	seq.s32 s10, $0x1;
	s10 =	sld [smem:$0x3FB8];
	_ =	sdelay $0x3  }
0x34: {  	[smem:$0x3FB8] =	sst s10  }
0x35: {  	s10 =	sld [smem:$0x3FB7];
	_ =	sdelay $0x3  }
0x36: {  	p1 =	seq.s32 s10, $0x1;
	s10 =	sld [smem:$0x3FB8];
	_ =	sdelay $0x3  }
0x37: {  	[smem:$0x3FB8] =	sst s10  }
0x38: {  	s10 =	sld [smem:$0x3FB9]  }
0x39: {  	_ = 	snop;
	(pc) =	sbr.ind lr, $3  }
0x3a: {  	_ = 	snop  }
0x3b: {  	_ = 	snop  }
0x3c: {  	p2 =	seq.s32 s10, $0x1;
	s10 =	sld [smem:$0x3FB8]  }
0x3d: {  	_ =	shalt  }
0x3e: {  	_ =	shalt  }
0x3f: {  	_ =	shalt  }
0x40: {  	_ =	shalt  }
0x41: {  	_ =	shalt  }
0x42: {  	_ =	shalt  }
0x43: {  	_ =	shalt  }
0x44: {  	_ =	shalt  }
0x45: {  	_ =	shalt  }
0x46: {  	_ =	shalt  }
0x47: {  	_ =	shalt  }
0x48: {  	_ =	shalt  }
0x49: {  	_ =	shalt  }
0x4a: {  	_ =	shalt  }
0x4b: {  	_ =	shalt  }
0x4c: {  	_ =	shalt  }
0x4d: {  	_ =	shalt  }
0x4e: {  	_ =	shalt  }
0x4f: {  	_ =	shalt  }
0x50: {  	_ =	shalt  }
0x51: {  	_ =	shalt  }
0x52: {  	_ =	shalt  }
0x53: {  	_ =	shalt  }
0x54: {  	_ =	shalt  }
0x55: {  	_ =	shalt  }
0x56: {  	_ =	shalt  }
0x57: {  	_ =	shalt  }
0x58: {  	_ =	shalt  }
0x59: {  	_ =	shalt  }
0x5a: {  	_ =	shalt  }
0x5b: {  	_ =	shalt  }
0x5c: {  	_ =	shalt  }
0x5d: {  	_ =	shalt  }
0x5e: {  	_ =	shalt  }
0x5f: {  	_ =	shalt  }
0x60: {  	_ =	shalt  }
0x61: {  	_ =	shalt  }
0x62: {  	_ =	shalt  }
0x63: {  	_ =	shalt  }
0x64: {  	_ =	shalt  }
0x65: {  	_ =	shalt  }
0x66: {  	_ =	shalt  }
0x67: {  	_ =	shalt  }
0x68: {  	_ =	shalt  }
0x69: {  	_ =	shalt  }
0x6a: {  	_ =	shalt  }
0x6b: {  	_ =	shalt  }
0x6c: {  	_ =	shalt  }
0x6d: {  	_ =	shalt  }
0x6e: {  	_ =	shalt  }
0x6f: {  	_ =	shalt  }
0x70: {  	_ =	shalt  }
0x71: {  	_ =	shalt  }
0x72: {  	_ =	shalt  }
0x73: {  	_ =	shalt  }
0x74: {  	_ =	shalt  }
0x75: {  	_ =	shalt  }
0x76: {  	_ =	shalt  }
0x77: {  	_ =	shalt  }
0x78: {  	_ =	shalt  }
0x79: {  	_ =	shalt  }
0x7a: {  	_ =	shalt  }
0x7b: {  	_ =	shalt  }
0x7c: {  	_ =	shalt  }
0x7d: {  	_ =	shalt  }
0x7e: {  	_ =	shalt  }
0x7f: {  	_ =	shalt  }
0x80: {  	_ =	shalt  }
0x81: {  	_ =	shalt  }
0x82: {  	_ =	shalt  }
0x83: {  	_ =	shalt  }
0x84: {  	_ =	shalt  }
0x85: {  	_ =	shalt  }
0x86: {  	_ =	shalt  }
0x87: {  	_ =	shalt  }
.Lfunc_end0:
.L_simem_size_0:
called_computation_lowered:
.L_overlay_start_0:
0x88: {  	s2 =	sld [smem:$0x3FD9]  }
0x89: {  	s3 =	sld [smem:$0x3FFE];
	_ =	sdelay $0x1  }
0x8a: {  	s1 =	srdreg.scid  }
0x8b: {  	s0 =	sand.u32 $0x1, s1  }
0x8c: {  	s16 =	sshll.u32 s0, $0xA;
	s2 =	sadd.s32 s3, s2  }
0x8d: {  	s2 =	sadd.s32 s2, s16  }
0x8e: {  	[smem:$0x3FC4] =	sst s2  }
0x8f: {  	_ = 	snop  }
0x90: {  	(tm) =	ssettm $0x1  }
0x91: {  	s17 =	sld [smem:$0x3FFB];
	_ =	sdelay $0x3  }
0x92: {  	_ =	strace s17  }
0x93: {  	s2 =	sld [smem:$0x3FFC];
	_ =	sdelay $0x3  }
0x94: {  	_ =	strace s2  }
0x95: {  	s2 =	sld [smem:$0x3FFD];
	_ =	sdelay $0x3  }
0x96: {  	_ =	strace s2  }
0x97: {  	_ =	strace $0x8FFFFFFF  }
0x98: {  	s18 =	sld [smem:$0x3FDB];
	_ =	sdelay $0x1  }
0x99: {  	s19 =	simm.s32 $_scs_section_size  }
0x9a: {  	s4 =	simm.s32 $_size__tile_overlayer_lowered;
	s5 =	simm.s32 $_tile_overlayer_lowered  }
0x9b: {  	s22 =	simm.s32 $0x1BFF;
	s21 =	sshll.u32 s5, $0x1;
	s2 =	sadd.s32 s19, s18  }
0x9c: {  	s6 =	simm.s32 $0x0;
	s20 =	sshll.u32 s4, $0x1;
	s4 =	sadd.s32 s21, s2  }
0x9d: {  	[timem:s6], [sflag:s22] =	dma.local [hbm:s4], s20  }
0x9e: {  	_ =	swait.ge [sflag:s22], s20  }
0x9f: {  	s3 =	ssub.s32 $0x0, s20;
	[sflag:s22] =	ssyncset.done $0x0  }
0xa0: {  	[sflag:s22] =	ssyncadd.s32 s3;
	_ =	sdelay $0x1  }
0xa1: {  	s23 =	simm.s32 $0x1B8B  }
0xa2: {  	_ =	swait.ge [sflag:s23], $0x1  }
0xa3: {  	[sflag:s23] =	ssyncset.done $0x0  }
0xa4: {  	s25 =	simm.s32 $0x1B8E;
	s24 =	sld [smem:$0x3FFE];
	[sflag:s23] =	ssyncadd.s32 $0xFFFFFFFF  }
0xa5: {  	s26 =	simm.s32 $execute0_lowered;
	[smem:$0x3FD2] =	sst s25  }
0xa6: {  	s4 =	sshll.u32 s26, $0x1;
	_ =	strace $0x80000046;
	[dreg:$0x1] =	wrdreg $0xFFFFFFFF  }
0xa7: {  	s28 =	simm.s32 $_size_execute0_lowered;
	s2 =	sadd.s32 s2, s4;
	[dreg:$0x0] =	wrdreg $0x0  }
0xa8: {  	s4 =	sshll.u32 s28, $0x1;
	[dreg:$0x2] =	wrdreg s2  }
0xa9: {  	[dreg:$0x3] =	wrdreg s4  }
0xaa: {  	[dreg:$0x4] =	wrdreg $0xC0  }
0xab: {  	_ =	task [dreg:s6], $0x5FFFF  }
0xac: {  	[dreg:$0x1] =	wrdreg $0xFFFFFFFF  }
0xad: {  	[dreg:$0x0] =	wrdreg $0x60  }
0xae: {  	[dreg:$0x2] =	wrdreg s24  }
0xaf: {  	[dreg:$0x3] =	wrdreg $0x2A800  }
0xb0: {  	[dreg:$0x4] =	wrdreg $0x9  }
0xb1: {  	_ =	task.clear_ibuf [dreg:s6], $0x5FFFF;
	_ =	strace $0x90000046  }
0xb2: {  	s29 =	simm.s32 $0x9;
	_ =	strace $0x80000048  }
0xb3: {  	_ =	swait.ge [sflag:s29], $0x1  }
0xb4: {  	[sflag:s29] =	ssyncadd.s32 $0xFFFFFFFF  }
0xb5: {  	_ =	strace $0x90000048  }
0xb6: {  	_ =	sfence  }
0xb7: {  	s30 =	sld [smem:$0x0];
	_ =	sdelay $0x2  }
0xb8: {  	s31 =	sshll.u32 s1, $0xD;
	s1 =	sshrl.u32 s1, $0x2  }
0xb9: {  	s3 =	sand.u32 $0x4000, s31;
	s1 =	sadd.s32 s1, s30  }
0xba: {  	s0 =	sor.u32 s3, s0;
	s1 =	sshll.u32 s1, $0x11  }
0xbb: {  	s0 =	sor.u32 s1, s0  }
0xbc: {  	s0 =	sadd.s32 $0x8F2B, s0  }
0xbd: {  	[sflag:s0] =	ssyncadd.remote.s32 $0x1  }
0xbe: {  	_ =	sfence.sel $0xFFFF  }
0xbf: {  	[dreg:$0x0] =	wrdreg $0xFFFFFFFF;
	(pc) =	sbr.abs _section_cstart, $3  }
0xc0: {  	[dreg:$0x1] =	wrdreg $0xFFFFFFFF  }
0xc1: {  	_ =	task.clear_ibuf [dreg:s6], $0x2FFFF;
	_ =	strace $0x9FFFFFFF  }
0xc2: {  	(tm) =	ssettm $0x7FFFFFFF  }
0xc3: {  	_ =	shalt  }
tec
execute0_lowered:
.L_overlay_start_1:
0x0: {  	(tag) =	ssettag $0x1  }
0x1: {  	s7 =	rddreg [dreg:$0x0]  }
0x2: {  	s2 =	rddreg [dreg:$0x1]  }
0x3: {  	s0 =	srdreg.scid;
	s1 =	rddreg [dreg:$0x2];
	s3 =	simm.s32 $0x0  }
0x4: {  	s10 =	simm.s32 $0x1388;
	s11 =	simm.s32 $0x1400;
	s4 =	sand.u32 $0x1, s0  }
0x5: {  	s12 =	simm.s32 $0x0;
	s0 =	stileid.u32;
	s5 =	smul.u32 $0x13880, s4  }
0x6: {  	[smem:$0x7FF] =	sst s3;
	s6 =	smul.u32 $0x1388, s0;
	s31 =	ssub.s32 $0x2, s4  }
0x7: {  	_ =	strace $0x80000047;
	s9 =	smul.u32 $0x280, s0;
	s8 =	sshrl.u32 s31, $0x1  }
0x8: {  	p0 =	seq.s32 s4, $0x1;
	s5 =	sadd.s32 s6, s5;
	s6 =	ssub.s32 s31, s8  }
0x9: {  	s8 =	simm.s32 $0xBE00;
	s4 =	sadd.s32 s9, s2;
	s9 =	sshrl.u32 s9, $0x3  }
0xa: {  	s5 =	sshrl.u32 s5, $0x3;
	s8 =	simm.s32 @!p0 $0xC400;
	s6 =	smax.u32 s6, $0x1  }
0xb: {  	s5 =	sadd.s32 s5, s7;
	s7 =	sadd.s32 s8, s7;
	s8 =	simm.s32 $0x2800  }
0xc: {  	v0 =	vimm.f32 $1.000000000e+00;
	v1 =	vimm.f32 $0.0e+00;
	s5 =	sadd.s32 $0x6E00, s5;
	s7 =	sadd.s32 s7, s9;
	s9 =	simm.s32 $0x1  }
.LBB2_1:
0xd: {  	s13 =	simm.s32 $0x40;
	s14 =	simm.s32 $0x0  }
.LBB2_2:
0xe: {  	p0 =	sne.s32 s13, $0x4DC0;
	[tilespmem:s14+$0x1400] =	vst v0;
	s14 =	smov.u32 s13;
	s13 =	sadd.s32 $0x40, s13  }
.Ltmp0:
0xf: {  	(pc) =	sbr.rel @p0 .LBB2_2-.Ltmp0, $2  }
0x10: {  	_ =	sdelay $0x2  }
0x11: {  	s14 =	sshra.s32 s14, $0x2  }
0x12: {  	[tilespmem:s14+$0x1400] =	vst v0  }
0x13: {  	[tilespmem:$0x2778] =	vst v0  }
0x14: {  	[tilespmem:$0x2800] =	vst v1  }
0x15: {  	[tilespmem:$0x2810] =	vst v1  }
0x16: {  	[tilespmem:$0x2820] =	vst v1  }
0x17: {  	[tilespmem:$0x2830] =	vst v1  }
0x18: {  	[tilespmem:$0x2840] =	vst v1  }
0x19: {  	[tilespmem:$0x2850] =	vst v1  }
0x1a: {  	[tilespmem:$0x2860] =	vst v1  }
0x1b: {  	[tilespmem:$0x2870] =	vst v1  }
0x1c: {  	[tilespmem:$0x2880] =	vst v1  }
0x1d: {  	[tilespmem:$0x2890] =	vst v1  }
0x1e: {  	[tilespmem:$0x28A0] =	vst v1  }
0x1f: {  	[tilespmem:$0x28B0] =	vst v1  }
0x20: {  	[tilespmem:$0x28C0] =	vst v1  }
0x21: {  	[tilespmem:$0x28D0] =	vst v1  }
0x22: {  	[tilespmem:$0x28E0] =	vst v1  }
0x23: {  	[tilespmem:$0x28F0] =	vst v1  }
0x24: {  	[tilespmem:$0x2900] =	vst v1  }
0x25: {  	[tilespmem:$0x2910] =	vst v1  }
0x26: {  	[tilespmem:$0x2920] =	vst v1  }
0x27: {  	[tilespmem:$0x2930] =	vst v1  }
0x28: {  	[tilespmem:$0x2940] =	vst v1  }
0x29: {  	[tilespmem:$0x2950] =	vst v1  }
0x2a: {  	[tilespmem:$0x2960] =	vst v1  }
0x2b: {  	[tilespmem:$0x2970] =	vst v1  }
0x2c: {  	[tilespmem:$0x2980] =	vst v1  }
0x2d: {  	[tilespmem:$0x2990] =	vst v1  }
0x2e: {  	[tilespmem:$0x29A0] =	vst v1  }
0x2f: {  	[tilespmem:$0x29B0] =	vst v1  }
0x30: {  	[tilespmem:$0x29C0] =	vst v1  }
0x31: {  	[tilespmem:$0x29D0] =	vst v1  }
0x32: {  	[tilespmem:$0x29E0] =	vst v1  }
0x33: {  	[tilespmem:$0x29F0] =	vst v1  }
0x34: {  	[tilespmem:$0x2A00] =	vst v1  }
0x35: {  	[tilespmem:$0x2A10] =	vst v1  }
0x36: {  	[tilespmem:$0x2A20] =	vst v1  }
0x37: {  	[tilespmem:$0x2A30] =	vst v1  }
0x38: {  	[tilespmem:$0x2A40] =	vst v1  }
0x39: {  	[tilespmem:$0x2A50] =	vst v1  }
0x3a: {  	[tilespmem:$0x2A60] =	vst v1  }
0x3b: {  	[tilespmem:$0x2A70] =	vst v1  }
0x3c: {  	[spmem:s4] =	stream.linear.scatter [tilespmem:s8], [sflag:$0x1], $0x280, $0x38;
	[tilespmem:$0x2D00] =	vst v63  }
0x3d: {  	_ =	swait.ge [sflag:s9], $0x280  }
0x3e: {  	[sflag:s9] =	ssyncset.done $0x0  }
0x3f: {  	[sflag:s9] =	ssyncadd.s32 $0xFFFFFD80  }
0x40: {  	[bflag:$0x0] =	sbarrier.arrive $0xFFFF  }
0x41: {  	[tilespmem:s3], [sflag:$0x1] =	stream.linear.gather [hbm4b:s5+s3], $0x1388, $0x38;
	[tilespmem:$0x2D00] =	vst v63  }
0x42: {  	_ =	swait.ge [sflag:s9], $0x1388  }
0x43: {  	[sflag:s9] =	ssyncset.done $0x0  }
0x44: {  	[sflag:s9] =	ssyncadd.s32 $0xFFFFEC78  }
0x45: {  	[spmem:s2] =	stream.indirect.scatter.add.f32 [tilespmem:s11], [sflag:$0x1], $0x1, s3, s10, $0xb8;
	[tilespmem:$0x2D00] =	vst v63  }
0x46: {  	_ =	swait.ge [sflag:s9], $0x1388  }
0x47: {  	[sflag:s9] =	ssyncset.done $0x0  }
0x48: {  	[sflag:s9] =	ssyncadd.s32 $0xFFFFEC78  }
0x49: {  	[bflag:$0x0] =	sbarrier.arrive $0xFFFF  }
0x4a: {  	[tilespmem:s8], [sflag:$0x1] =	stream.linear.gather [spmem:s4], $0x280, $0x38;
	[tilespmem:$0x2D00] =	vst v63  }
0x4b: {  	s12 =	sadd.s32 $0x1, s12;
	_ =	swait.ge [sflag:s9], $0x280  }
0x4c: {  	p0 =	sne.s32 s12, s6;
	[sflag:s9] =	ssyncset.done $0x0  }
.Ltmp1:
0x4d: {  	[sflag:s9] =	ssyncadd.s32 $0xFFFFFD80;
	(pc) =	sbr.rel @p0 .LBB2_1-.Ltmp1, $4  }
0x4e: {  	[hbm4b:s7+s3] =	stream.linear.scatter [tilespmem:s8], [sflag:$0x1], $0x280, $0x38;
	[tilespmem:$0x2D00] =	vst v63  }
0x4f: {  	_ =	swait.ge [sflag:s9], $0x280  }
0x50: {  	[sflag:s9] =	ssyncset.done $0x0  }
0x51: {  	[sflag:s9] =	ssyncadd.s32 $0xFFFFFD80  }
0x52: {  	_ =	sfence.sel $0x180000  }
0x53: {  	[bflag:$0x0] =	sbarrier.arrive $0xFFFF  }
0x54: {  	p0 =	sne.s32 s0, $0x0;
	_ =	strace $0x90000047  }
0x55: {  	s0 =	sadd.s32 @!p0 $0x100000, s1;
	[bflag:$0x2] =	sbarrier.arrive $0xFFFF  }
0x56: {  	[sflag:s0] =	ssyncadd.tile.s32 @!p0 $0x1;
	_ =	shalt  }
.Lfunc_end2:
_tile_overlayer_lowered:
.L_overlay_start_2:
0x57: {  	(tag) =	ssettag $0x2  }
0x58: {  	s0 =	rddreg [dreg:$0x0];
	s2 =	stileid.u32  }
0x59: {  	s1 =	rddreg [dreg:$0x1];
	p0 =	sne.s32 s2, $0x0  }
0x5a: {  	s3 =	rddreg [dreg:$0x2];
	[bflag:$0x3] =	sbarrier.arrive $0xFFFF;
	s2 =	simm.s32 @!p0 $0x1C01  }
0x5b: {  	[timem:s3], [sflag:s2] =	dma.local @!p0 [hbm:s0], s1  }
0x5c: {  	s0 =	simm.s32 @!p0 $0x1  }
0x5d: {  	_ =	swait.ge @!p0 [sflag:s0], s1  }
0x5e: {  	s1 =	ssub.s32 @!p0 $0x0, s1;
	[sflag:s0] =	ssyncset.done @!p0 $0x0  }
0x5f: {  	[sflag:s0] =	ssyncadd.s32 @!p0 s1  }
0x60: {  	[bflag:$0x3] =	sbarrier.arrive $0xFFFF  }
0x61: {  	_ =	shalt  }

// kernel: kernel.9.cloned.1.call-start
scs
__scs_entry_jumppad:
0x0: {  	(pc) =	sbr.rel $0x88, $3  }
0x1: {  	(tag) =	ssettag $0x0;
	lr =	simm.s32 $0x1  }
0x2: {  	[smem:$0x3F9D] =	sst lr;
	_ =	strace $0xD0000000  }
0x3: {  	_ = 	snop  }
0x4: {  	_ = 	snop  }
0x5: {  	_ = 	snop  }
0x6: {  	_ = 	snop  }
0x7: {  	_ = 	snop  }
__scs_overlays_trampoline_lowered:
0x8: {  	[smem:$0x3FAC] =	sst s0  }
0x9: {  	[smem:$0x3FAD] =	sst s1  }
0xa: {  	[smem:$0x3FAE] =	sst s2  }
0xb: {  	[smem:$0x3FAF] =	sst s3  }
0xc: {  	[smem:$0x3FB0] =	sst s4  }
0xd: {  	[smem:$0x3FB1] =	sst s5  }
0xe: {  	[smem:$0x3FB2] =	sst s6  }
0xf: {  	[smem:$0x3FB3] =	sst s7  }
0x10: {  	[smem:$0x3FB4] =	sst s8  }
0x11: {  	[smem:$0x3FB5] =	sst s9;
	s0 =	simm.s32 @!p0 $0x0  }
0x12: {  	s1 =	sld [smem:$0x3F9B];
	s0 =	simm.s32 @p0 $0x1  }
0x13: {  	[smem:$0x3FB6] =	sst s0;
	s0 =	simm.s32 @!p1 $0x0  }
0x14: {  	s2 =	sld [smem:$0x3F9A];
	s0 =	simm.s32 @p1 $0x1  }
0x15: {  	[smem:$0x3FB7] =	sst s0;
	s0 =	simm.s32 @!p2 $0x0  }
0x16: {  	s3 =	sld [smem:$0x3FDB];
	s0 =	simm.s32 @p2 $0x1  }
0x17: {  	s4 =	simm.s32 $0x1BF5;
	[smem:$0x3FB9] =	sst s0  }
0x18: {  	s0 =	sld [smem:$0x3F9C];
	_ =	swait.ge [sflag:s4], $0x0  }
0x19: {  	s7 =	sld [smem:$0x3F9D]  }
0x1a: {  	s8 =	sadd.s32 $0xFFFFE003, lr  }
0x1b: {  	s9 =	sadd.s32 $0xFFFFFEF7, lr;
	s5 =	simm.s32 $0xFFFFFFFF;
	p2 =	slt.u32 s8, $0xFFFFF086  }
0x1c: {  	p1 =	slt.u32 s9, $0xF7A;
	s5 =	simm.s32 @!p2 $0x0  }
0x1d: {  	s5 =	simm.s32 @p1 $0x1;
	p0 =	seq.s32 s7, s2  }
0x1e: {  	s7 =	smul.u32 @!p0 $0xF7A, s2;
	p2 =	seq.s32 @!p0 s5, $0x0  }
0x1f: {  	s9 =	smul.u32 $0xF7A, s1;
	s8 =	simm.s32 @!p0 $0x1BF5;
	p2 =	por !p2, p0  }
0x20: {  	[sflag:s8] =	ssyncset.s32 @!p0 $0xFFFFF086;
	s6 =	sadd.s32 @!p0 s3, s7;
	s7 =	simm.s32 @!p0 $0x108  }
0x21: {  	s3 =	sadd.s32 s3, s9;
	s6 =	sadd.s32 @!p0 $0x88, s6;
	s7 =	simm.s32 @p2 $0x1082  }
0x22: {  	[simem:s7], [sflag:s8] =	dma.local @!p0 [hbm:s6], $0xF7A  }
0x23: {  	s9 =	sor.u32 $0xD0000000, s2;
	s6 =	simm.s32 $0x108;
	_ =	swait.ge @!p0 [sflag:s8], $0x0  }
0x24: {  	s3 =	sadd.s32 $0x88, s3;
	s6 =	simm.s32 @!p1 $0x1082;
	[sflag:s4] =	ssyncset.s32 $0xFFFFF086  }
0x25: {  	[simem:s6], [sflag:s4] =	dma.local [hbm:s3], $0xF7A  }
0x26: {  	[smem:$0x3F9D] =	sst s1;
	(tag) =	ssettag s2;
	_ =	strace s9  }
0x27: {  	s1 =	sld [smem:$0x3FAD]  }
0x28: {  	s2 =	sld [smem:$0x3FAE]  }
0x29: {  	s4 =	sld [smem:$0x3FB0]  }
0x2a: {  	p0 =	seq.s32 s5, $0x0;
	s5 =	sld [smem:$0x3FB1]  }
0x2b: {  	s6 =	sld [smem:$0x3FB2]  }
0x2c: {  	s7 =	sld [smem:$0x3FB3]  }
0x2d: {  	s3 =	simm.s32 $0x108;
	s8 =	sld [smem:$0x3FB4]  }
0x2e: {  	s3 =	simm.s32 @!p0 $0x1082;
	s9 =	sld [smem:$0x3FB5]  }
0x2f: {  	lr =	sadd.s32 s0, s3;
	s0 =	sld [smem:$0x3FAC]  }
0x30: {  	s3 =	sld [smem:$0x3FAF]  }
0x31: {  	[smem:$0x3FB8] =	sst s10  }
0x32: {  	s10 =	sld [smem:$0x3FB6];
	_ =	sdelay $0x3  }
0x33: {  	p0 =	seq.s32 s10, $0x1;
	s10 =	sld [smem:$0x3FB8];
	_ =	sdelay $0x3  }
0x34: {  	[smem:$0x3FB8] =	sst s10  }
0x35: {  	s10 =	sld [smem:$0x3FB7];
	_ =	sdelay $0x3  }
0x36: {  	p1 =	seq.s32 s10, $0x1;
	s10 =	sld [smem:$0x3FB8];
	_ =	sdelay $0x3  }
0x37: {  	[smem:$0x3FB8] =	sst s10  }
0x38: {  	s10 =	sld [smem:$0x3FB9]  }
0x39: {  	_ = 	snop;
	(pc) =	sbr.ind lr, $3  }
0x3a: {  	_ = 	snop  }
0x3b: {  	_ = 	snop  }
0x3c: {  	p2 =	seq.s32 s10, $0x1;
	s10 =	sld [smem:$0x3FB8]  }
0x3d: {  	_ =	shalt  }
0x3e: {  	_ =	shalt  }
0x3f: {  	_ =	shalt  }
0x40: {  	_ =	shalt  }
0x41: {  	_ =	shalt  }
0x42: {  	_ =	shalt  }
0x43: {  	_ =	shalt  }
0x44: {  	_ =	shalt  }
0x45: {  	_ =	shalt  }
0x46: {  	_ =	shalt  }
0x47: {  	_ =	shalt  }
0x48: {  	_ =	shalt  }
0x49: {  	_ =	shalt  }
0x4a: {  	_ =	shalt  }
0x4b: {  	_ =	shalt  }
0x4c: {  	_ =	shalt  }
0x4d: {  	_ =	shalt  }
0x4e: {  	_ =	shalt  }
0x4f: {  	_ =	shalt  }
0x50: {  	_ =	shalt  }
0x51: {  	_ =	shalt  }
0x52: {  	_ =	shalt  }
0x53: {  	_ =	shalt  }
0x54: {  	_ =	shalt  }
0x55: {  	_ =	shalt  }
0x56: {  	_ =	shalt  }
0x57: {  	_ =	shalt  }
0x58: {  	_ =	shalt  }
0x59: {  	_ =	shalt  }
0x5a: {  	_ =	shalt  }
0x5b: {  	_ =	shalt  }
0x5c: {  	_ =	shalt  }
0x5d: {  	_ =	shalt  }
0x5e: {  	_ =	shalt  }
0x5f: {  	_ =	shalt  }
0x60: {  	_ =	shalt  }
0x61: {  	_ =	shalt  }
0x62: {  	_ =	shalt  }
0x63: {  	_ =	shalt  }
0x64: {  	_ =	shalt  }
0x65: {  	_ =	shalt  }
0x66: {  	_ =	shalt  }
0x67: {  	_ =	shalt  }
0x68: {  	_ =	shalt  }
0x69: {  	_ =	shalt  }
0x6a: {  	_ =	shalt  }
0x6b: {  	_ =	shalt  }
0x6c: {  	_ =	shalt  }
0x6d: {  	_ =	shalt  }
0x6e: {  	_ =	shalt  }
0x6f: {  	_ =	shalt  }
0x70: {  	_ =	shalt  }
0x71: {  	_ =	shalt  }
0x72: {  	_ =	shalt  }
0x73: {  	_ =	shalt  }
0x74: {  	_ =	shalt  }
0x75: {  	_ =	shalt  }
0x76: {  	_ =	shalt  }
0x77: {  	_ =	shalt  }
0x78: {  	_ =	shalt  }
0x79: {  	_ =	shalt  }
0x7a: {  	_ =	shalt  }
0x7b: {  	_ =	shalt  }
0x7c: {  	_ =	shalt  }
0x7d: {  	_ =	shalt  }
0x7e: {  	_ =	shalt  }
0x7f: {  	_ =	shalt  }
0x80: {  	_ =	shalt  }
0x81: {  	_ =	shalt  }
0x82: {  	_ =	shalt  }
0x83: {  	_ =	shalt  }
0x84: {  	_ =	shalt  }
0x85: {  	_ =	shalt  }
0x86: {  	_ =	shalt  }
0x87: {  	_ =	shalt  }
.Lfunc_end0:
.L_simem_size_0:
called_computation.1_lowered:
.L_overlay_start_0:
0x88: {  	s2 =	sld [smem:$0x3FD9]  }
0x89: {  	s3 =	sld [smem:$0x3FFE];
	_ =	sdelay $0x1  }
0x8a: {  	s1 =	srdreg.scid  }
0x8b: {  	s0 =	sand.u32 $0x1, s1  }
0x8c: {  	s17 =	sshll.u32 s0, $0xA;
	s2 =	sadd.s32 s3, s2  }
0x8d: {  	s2 =	sadd.s32 s2, s17  }
0x8e: {  	[smem:$0x3FC4] =	sst s2  }
0x8f: {  	_ = 	snop  }
0x90: {  	s2 =	sld [smem:$0x3FD0];
	(tm) =	ssettm $0x1  }
0x91: {  	s18 =	sld [smem:$0x3FFB];
	_ =	sdelay $0x3  }
0x92: {  	_ =	strace s18  }
0x93: {  	s3 =	sld [smem:$0x3FFC];
	_ =	sdelay $0x3  }
0x94: {  	_ =	strace s3  }
0x95: {  	s3 =	sld [smem:$0x3FFD];
	_ =	sdelay $0x3  }
0x96: {  	_ =	strace s3  }
0x97: {  	_ =	strace $0x8FFFFFFF  }
0x98: {  	s19 =	sld [smem:$0x3FDB];
	_ =	sdelay $0x1  }
0x99: {  	s4 =	simm.s32 $_scs_section_size  }
0x9a: {  	s5 =	simm.s32 $_size__tile_overlayer_lowered;
	s6 =	simm.s32 $_tile_overlayer_lowered  }
0x9b: {  	s22 =	simm.s32 $0x1BFF;
	s21 =	sshll.u32 s6, $0x1;
	s3 =	sadd.s32 s4, s19  }
0x9c: {  	s7 =	simm.s32 $0x0;
	s20 =	sshll.u32 s5, $0x1;
	s5 =	sadd.s32 s21, s3  }
0x9d: {  	[timem:s7], [sflag:s22] =	dma.local [hbm:s5], s20  }
0x9e: {  	_ =	swait.ge [sflag:s22], s20  }
0x9f: {  	s4 =	ssub.s32 $0x0, s20;
	[sflag:s22] =	ssyncset.done $0x0  }
0xa0: {  	[sflag:s22] =	ssyncadd.s32 s4;
	_ =	sdelay $0x1  }
0xa1: {  	s23 =	simm.s32 $0x1B8B  }
0xa2: {  	_ =	swait.ge [sflag:s23], $0x1  }
0xa3: {  	[sflag:s23] =	ssyncset.done $0x0  }
0xa4: {  	s25 =	simm.s32 $0x1B8E;
	s24 =	sld [smem:$0x3FFE];
	[sflag:s23] =	ssyncadd.s32 $0xFFFFFFFF  }
0xa5: {  	s26 =	simm.s32 $execute0_lowered;
	[smem:$0x3FD2] =	sst s25  }
0xa6: {  	s5 =	sshll.u32 s26, $0x1;
	_ =	strace $0x80000049;
	[dreg:$0x1] =	wrdreg $0xFFFFFFFF  }
0xa7: {  	s28 =	simm.s32 $_size_execute0_lowered;
	s3 =	sadd.s32 s3, s5;
	[dreg:$0x0] =	wrdreg $0x0  }
0xa8: {  	s5 =	sshll.u32 s28, $0x1;
	[dreg:$0x2] =	wrdreg s3  }
0xa9: {  	[dreg:$0x3] =	wrdreg s5  }
0xaa: {  	[dreg:$0x4] =	wrdreg $0xC0  }
0xab: {  	_ =	task [dreg:s7], $0x5FFFF  }
0xac: {  	[dreg:$0x1] =	wrdreg $0xFFFFFFFF  }
0xad: {  	[dreg:$0x0] =	wrdreg $0x60  }
0xae: {  	[dreg:$0x2] =	wrdreg s2  }
0xaf: {  	[dreg:$0x3] =	wrdreg s24  }
0xb0: {  	[dreg:$0x4] =	wrdreg $0xC0000  }
0xb1: {  	[dreg:$0x5] =	wrdreg $0x9  }
0xb2: {  	_ =	task.clear_ibuf [dreg:s7], $0x6FFFF;
	_ =	strace $0x90000049  }
0xb3: {  	s29 =	simm.s32 $0x9;
	_ =	strace $0x8000004B  }
0xb4: {  	_ =	swait.ge [sflag:s29], $0x1  }
0xb5: {  	[sflag:s29] =	ssyncadd.s32 $0xFFFFFFFF  }
0xb6: {  	_ =	strace $0x9000004B  }
0xb7: {  	_ =	sfence  }
0xb8: {  	s30 =	sld [smem:$0x0];
	_ =	sdelay $0x2  }
0xb9: {  	s31 =	sshll.u32 s1, $0xD;
	s1 =	sshrl.u32 s1, $0x2  }
0xba: {  	s3 =	sand.u32 $0x4000, s31;
	s1 =	sadd.s32 s1, s30  }
0xbb: {  	s0 =	sor.u32 s3, s0;
	s1 =	sshll.u32 s1, $0x11  }
0xbc: {  	s0 =	sor.u32 s1, s0  }
0xbd: {  	s0 =	sadd.s32 $0x8F2B, s0  }
0xbe: {  	[sflag:s0] =	ssyncadd.remote.s32 $0x1  }
0xbf: {  	_ =	sfence.sel $0xFFFF  }
0xc0: {  	[dreg:$0x0] =	wrdreg $0xFFFFFFFF;
	(pc) =	sbr.abs _section_cstart, $3  }
0xc1: {  	[dreg:$0x1] =	wrdreg $0xFFFFFFFF  }
0xc2: {  	_ =	task.clear_ibuf [dreg:s7], $0x2FFFF;
	_ =	strace $0x9FFFFFFF  }
0xc3: {  	(tm) =	ssettm $0x7FFFFFFF  }
tec
execute0_lowered:
.L_overlay_start_1:
0x0: {  	(tag) =	ssettag $0x1  }
0x1: {  	s1 =	rddreg [dreg:$0x0]  }
0x2: {  	s0 =	rddreg [dreg:$0x1]  }
0x3: {  	s3 =	rddreg [dreg:$0x2]  }
0x4: {  	s4 =	simm.s32 $0x0;
	s12 =	stileid.u32;
	s6 =	srdreg.scid  }
0x5: {  	s28 =	simm.s32 $0x68;
	s29 =	simm.s32 $0x8C00;
	s2 =	smul.u32 $0x2710, s12  }
0x6: {  	[smem:$0x7FF] =	sst s4;
	s5 =	sadd.s32 $0xBE00, s0;
	s7 =	smul.u32 $0x2700, s12  }
0x7: {  	s6 =	sand.u32 $0x1, s6;
	s9 =	sadd.s32 $0x6E00, s0;
	p3 =	seq.s32 s12, $0xF  }
0x8: {  	p0 =	sne.s32 s12, $0xF;
	s19 =	sadd.s32 $0x138000, s3;
	s20 =	smul.u32 $0x4E000, s12  }
0x9: {  	s21 =	sadd.s32 $0x124800, s3;
	s22 =	sadd.s32 $0x7EB00, s0;
	s30 =	smul.u32 $0x4E2, s12  }
0xa: {  	_ =	strace $0x8000004A;
	s10 =	ssub.s32 $0x2, s6;
	[dreg:$0x6] =	wrdreg s19  }
0xb: {  	p4 =	seq.s32 s6, $0x0;
	p1 =	seq.s32 s6, $0x1;
	[dreg:$0x7] =	wrdreg s21  }
0xc: {  	[dreg:$0x8] =	wrdreg s22;
	s22 =	simm.s32 $0x4;
	s2 =	sshrl.u32 s2, $0x3  }
0xd: {  	s7 =	sadd.s32 s7, s0;
	s11 =	sshrl.u32 s10, $0x1;
	p2 =	por !p4, !p0  }
0xe: {  	p4 =	por !p4, !p3;
	p6 =	por !p0, !p1;
	p3 =	por !p3, !p1  }
0xf: {  	s21 =	sadd.s32 s30, s9;
	s8 =	sadd.s32 s2, s0;
	s2 =	sadd.s32 s9, s2  }
0x10: {  	s10 =	ssub.s32 s10, s11;
	p2 =	por !p2, !p2;
	s23 =	sadd.s32 $0x5A200, s7  }
0x11: {  	p4 =	por !p4, !p4;
	s0 =	sadd.s32 $0xA5D00, s0;
	[dreg:$0x9] =	wrdreg s23  }
0x12: {  	p5 =	por !p3, !p3;
	s24 =	sadd.s32 $0x81400, s7;
	[dreg:$0xa] =	wrdreg s0  }
0x13: {  	s7 =	simm.s32 $0x5780;
	s8 =	sadd.s32 $0x1E00, s8;
	[dreg:$0xb] =	wrdreg s24  }
0x14: {  	s2 =	sadd.s32 $0x4E0, s2;
	s25 =	smax.u32 s10, $0x1;
	[dreg:$0x4] =	wrdreg s8  }
0x15: {  	s24 =	simm.s32 $0x5800;
	s10 =	simm.s32 $0x0;
	[dreg:$0x5] =	wrdreg s2  }
0x16: {  	s8 =	simm.s32 @!p4 $0x0;
	s2 =	sshrl.u32 s20, $0x2;
	[dreg:$0xc] =	wrdreg s25  }
.Ltmp0:
0x17: {  	s25 =	simm.s32 $0x1;
	s8 =	simm.s32 @p4 $0x1;
	(pc) =	sbr.rel .LBB2_1-.Ltmp0, $4  }
0x18: {  	s11 =	sadd.s32 s2, s3;
	p4 =	por !p6, !p6;
	p6 =	sne.s32 s6, $0x0  }
0x19: {  	[smem:$0x7FD] =	sst s8;
	s26 =	sadd.s32 $0x3400, s11;
	s31 =	sadd.s32 $0x6800, s11  }
0x1a: {  	s18 =	sadd.s32 $0x9C00, s11;
	s19 =	sadd.s32 $0xD000, s11;
	[dreg:$0xd] =	wrdreg s26  }
0x1b: {  	v0 =	vimm.f32 $0.0e+00;
	s20 =	sadd.s32 $0x10400, s11;
	[dreg:$0xe] =	wrdreg s31;
	s26 =	simm.s32 $0x3  }
.LBB2_14:
0x1c: {  	s0 =	rddreg [dreg:$0x7]  }
0x1d: {  	s2 =	rddreg [dreg:$0x8];
	s6 =	simm.s32 $0x1FC4;
	s0 =	sshrl.u32 s0, $0x3  }
0x1e: {  	[hbm:s2], [sflag:s6] =	dma.local [spmem:s0], $0x2800  }
0x1f: {  	_ =	swait.ge [sflag:s22], $0x2800  }
0x20: {  	[sflag:s22] =	ssyncset.done $0x0  }
0x21: {  	[sflag:s22] =	ssyncadd.s32 $0xFFFFD800  }
.LBB2_15:
0x22: {  	s0 =	rddreg [dreg:$0x7]  }
0x23: {  	s2 =	simm.s32 @p5 $0x1FC4;
	s6 =	rddreg [dreg:$0xa];
	s0 =	sshrl.u32 @p5 s0, $0x3  }
0x24: {  	[hbm:s6], [sflag:s2] =	dma.local @p5 [spmem:s0], $0x2800  }
0x25: {  	s0 =	simm.s32 @p5 $0x4  }
0x26: {  	_ =	swait.ge @p5 [sflag:s0], $0x2800  }
0x27: {  	[sflag:s0] =	ssyncset.done @p5 $0x0  }
0x28: {  	[sflag:s0] =	ssyncadd.s32 @p5 $0xFFFFD800  }
.LBB2_16:
0x29: {  	s10 =	sadd.s32 $0x1, s10;
	s0 =	rddreg [dreg:$0xc]  }
0x2a: {  	p3 =	sne.s32 s10, s0  }
.Ltmp1:
0x2b: {  	_ = 	snop;
	(pc) =	sbr.rel @!p3 .LBB2_17-.Ltmp1, $1  }
0x2c: {  	_ =	sdelay $0x3  }
.LBB2_1:
0x2d: {  	s0 =	rddreg [dreg:$0x4]  }
0x2e: {  	[tilespmem:s4], [sflag:$0x4] =	stream.linear.gather [hbm4b:s0+s4], $0x2710, $0x38;
	[tilespmem:$0x1F880] =	vst v63  }
0x2f: {  	_ =	swait.ge [sflag:s22], $0x2710  }
0x30: {  	[sflag:s22] =	ssyncset.done $0x0  }
0x31: {  	s30 =	rddreg [dreg:$0x5];
	[sflag:s22] =	ssyncadd.s32 $0xFFFFD8F0  }
0x32: {  	[tilespmem:s7], [sflag:$0x3] =	stream.linear.gather [hbm4b:s30+s4], $0x10, $0x38;
	[tilespmem:$0x1F880] =	vst v63  }
0x33: {  	s2 =	simm.s32 $0x2780;
	s31 =	sadd.s32 $0x0, s21;
	s6 =	simm.s32 $0xD  }
0x34: {  	[tilespmem:s2], [sflag:$0x3] =	stream.linear.gather [hbm4b:s31+s4], $0x68, $0x38;
	[tilespmem:$0x1F880] =	vst v63  }
.LBB2_2:
0x35: {  	p3 =	sne.s32 s6, $0x4D3  }
.Ltmp2:
0x36: {  	_ = 	snop;
	(pc) =	sbr.rel @p3 .LBB2_2-.Ltmp2, $4  }
0x37: {  	_ = 	snop  }
0x38: {  	s7 =	sadd.s32 s6, s21;
	s2 =	sadd.s32 $0x80, s2  }
0x39: {  	s0 =	simm.s32 $0x0;
	s6 =	sadd.s32 $0xD, s6  }
0x3a: {  	[tilespmem:s2], [sflag:$0x3] =	stream.linear.gather [hbm4b:s7+s0], $0x68, $0x38;
	[tilespmem:$0x1F880] =	vst v63  }
0x3b: {  	s2 =	sand.u32 $0xFE00, s0  }
0x3c: {  	s6 =	sand.u32 $0x70, s0;
	s7 =	sshrl.u32 s2, $0x2  }
0x3d: {  	s2 =	simm.s32 $0x40;
	s6 =	sor.u32 s6, s7  }
.LBB2_4:
0x3e: {  	p3 =	sne.s32 s2, $0xCFC0  }
0x3f: {  	[tilespmem:s6+$0x5800] =	vst v0;
	s0 =	sadd.s32 $0x10, s0;
	s6 =	smov.u32 s2;
	s2 =	sadd.s32 $0x40, s2  }
.Ltmp3:
0x40: {  	(pc) =	sbr.rel @p3 .LBB2_4-.Ltmp3, $4  }
0x41: {  	_ = 	snop  }
0x42: {  	s6 =	sand.u32 $0xFE00, s6  }
0x43: {  	s7 =	sand.u32 $0x70, s0;
	s6 =	sshrl.u32 s6, $0x2  }
0x44: {  	s6 =	sor.u32 s7, s6  }
0x45: {  	[tilespmem:s6+$0x5800] =	vst v0  }
0x46: {  	[spmem:s11] =	stream.linear.scatter [tilespmem:s24], [sflag:$0x1], $0x3400, $0x38;
	[tilespmem:$0x1F880] =	vst v63  }
0x47: {  	s0 =	rddreg [dreg:$0xd]  }
0x48: {  	[spmem:s0] =	stream.linear.scatter [tilespmem:s24], [sflag:$0x1], $0x3400, $0x38;
	[tilespmem:$0x1F880] =	vst v63  }
0x49: {  	s31 =	rddreg [dreg:$0xe]  }
0x4a: {  	[spmem:s31] =	stream.linear.scatter [tilespmem:s24], [sflag:$0x1], $0x3400, $0x38;
	[tilespmem:$0x1F880] =	vst v63  }
0x4b: {  	_ = 	snop  }
0x4c: {  	[spmem:s18] =	stream.linear.scatter [tilespmem:s24], [sflag:$0x1], $0x3400, $0x38;
	[tilespmem:$0x1F880] =	vst v63  }
0x4d: {  	_ = 	snop  }
0x4e: {  	[spmem:s19] =	stream.linear.scatter [tilespmem:s24], [sflag:$0x1], $0x3400, $0x38;
	[tilespmem:$0x1F880] =	vst v63  }
0x4f: {  	_ = 	snop  }
0x50: {  	[spmem:s20] =	stream.linear.scatter [tilespmem:s24], [sflag:$0x1], $0x3400, $0x38;
	[tilespmem:$0x1F880] =	vst v63  }
0x51: {  	s2 =	rddreg [dreg:$0x6];
	s0 =	simm.s32 @!p0 $0x5800  }
0x52: {  	[spmem:s2] =	stream.linear.scatter @!p0 [tilespmem:s0], [sflag:$0x4], $0x800, $0x38;
	[tilespmem:$0x1F880] =	vst v63  }
0x53: {  	s0 =	simm.s32 @!p0 $0x4  }
0x54: {  	_ =	swait.ge @!p0 [sflag:s0], $0x800  }
0x55: {  	[sflag:s0] =	ssyncset.done @!p0 $0x0  }
0x56: {  	[sflag:s0] =	ssyncadd.s32 @!p0 $0xFFFFF800  }
0x57: {  	_ =	swait.ge [sflag:s25], $0x3400  }
0x58: {  	[sflag:s25] =	ssyncset.done $0x0  }
0x59: {  	[sflag:s25] =	ssyncadd.s32 $0xFFFFCC00  }
0x5a: {  	_ =	swait.ge [sflag:s25], $0x3400  }
0x5b: {  	[sflag:s25] =	ssyncset.done $0x0  }
0x5c: {  	[sflag:s25] =	ssyncadd.s32 $0xFFFFCC00  }
0x5d: {  	_ =	swait.ge [sflag:s25], $0x3400  }
0x5e: {  	[sflag:s25] =	ssyncset.done $0x0  }
0x5f: {  	[sflag:s25] =	ssyncadd.s32 $0xFFFFCC00  }
0x60: {  	_ =	swait.ge [sflag:s25], $0x3400  }
0x61: {  	[sflag:s25] =	ssyncset.done $0x0  }
0x62: {  	[sflag:s25] =	ssyncadd.s32 $0xFFFFCC00  }
0x63: {  	_ =	swait.ge [sflag:s25], $0x3400  }
0x64: {  	[sflag:s25] =	ssyncset.done $0x0  }
0x65: {  	[sflag:s25] =	ssyncadd.s32 $0xFFFFCC00  }
0x66: {  	_ =	swait.ge [sflag:s25], $0x3400  }
0x67: {  	[sflag:s25] =	ssyncset.done $0x0  }
0x68: {  	[sflag:s25] =	ssyncadd.s32 $0xFFFFCC00  }
0x69: {  	_ =	swait.ge [sflag:s26], $0x68  }
0x6a: {  	s0 =	simm.s32 $0x5F;
	[sflag:s26] =	ssyncset.done $0x0  }
.LBB2_6:
0x6b: {  	p3 =	sne.s32 s0, $0x1;
	s0 =	sadd.s32 $0xFFFFFFFF, s0;
	[sflag:s26] =	ssyncadd.s32 $0xFFFFFF98  }
.Ltmp4:
0x6c: {  	(pc) =	sbr.rel @p3 .LBB2_6-.Ltmp4, $3  }
0x6d: {  	_ =	sdelay $0x1  }
0x6e: {  	_ =	swait.ge [sflag:s26], $0x68  }
0x6f: {  	[sflag:s26] =	ssyncset.done $0x0  }
0x70: {  	[sflag:s26] =	ssyncadd.s32 $0xFFFFFF98  }
0x71: {  	_ =	swait.ge [sflag:s26], $0x10  }
0x72: {  	[sflag:s26] =	ssyncset.done $0x0  }
0x73: {  	s14 =	simm.s32 @!p6 $0x68;
	[sflag:s26] =	ssyncadd.s32 $0xFFFFFFF0  }
0x74: {  	s0 =	simm.s32 @!p6 $0x0;
	s12 =	simm.s32 @!p6 $0x5800;
	[bflag:$0x0] =	sbarrier.arrive $0xFFFF  }
0x75: {  	[tilespmem:s12], [sflag:$0x1] =	stream.indirect.gather @!p6 [hbm4b:s1+s14], $0x80, s0, s14, $0xb8;
	[tilespmem:$0x1F880] =	vst v63  }
0x76: {  	s2 =	simm.s32 @p1 $0x68;
	s30 =	simm.s32 @p1 $0x5800;
	s0 =	simm.s32 @p1 $0x0  }
0x77: {  	[tilespmem:s30], [sflag:$0x1] =	stream.indirect.gather @p1 [hbm4b:s5+s2], $0x80, s0, s2, $0xb8;
	[tilespmem:$0x1F880] =	vst v63  }
0x78: {  	s6 =	simm.s32 $0x68;
	s31 =	simm.s32 @!p6 $0x8C00  }
0x79: {  	[tilespmem:s31], [sflag:$0x2] =	stream.indirect.gather @!p6 [hbm4b:s1+s14], $0x80, s6, s14, $0xb8;
	[tilespmem:$0x1F880] =	vst v63  }
0x7a: {  	s13 =	simm.s32 @!p6 $0x1;
	s0 =	simm.s32 @p1 $0x8C00  }
0x7b: {  	[tilespmem:s0], [sflag:$0x2] =	stream.indirect.gather @p1 [hbm4b:s5+s2], $0x80, s6, s2, $0xb8;
	[tilespmem:$0x1F880] =	vst v63  }
0x7c: {  	_ =	swait.ge @!p6 [sflag:s13], $0x3400  }
0x7d: {  	[sflag:s13] =	ssyncset.done @!p6 $0x0  }
0x7e: {  	s9 =	simm.s32 @p1 $0x1;
	[sflag:s13] =	ssyncadd.s32 @!p6 $0xFFFFCC00  }
0x7f: {  	_ =	swait.ge @p1 [sflag:s9], $0x3400  }
0x80: {  	[sflag:s9] =	ssyncset.done @p1 $0x0  }
0x81: {  	s17 =	simm.s32 $0x2780;
	[sflag:s9] =	ssyncadd.s32 @p1 $0xFFFFCC00  }
0x82: {  	[spmem:s3] =	stream.indirect.scatter.add.f32 [tilespmem:s24], [sflag:$0x4], $0x80, s17, s28, $0xb8;
	[tilespmem:$0x1F880] =	vst v63  }
0x83: {  	_ =	swait.ge [sflag:s22], $0x3400  }
0x84: {  	[sflag:s22] =	ssyncset.done $0x0  }
0x85: {  	s6 =	simm.s32 @!p6 $0xD0;
	[sflag:s22] =	ssyncadd.s32 $0xFFFFCC00  }
0x86: {  	[tilespmem:s12], [sflag:$0x1] =	stream.indirect.gather @!p6 [hbm4b:s1+s14], $0x80, s6, s14, $0xb8;
	[tilespmem:$0x1F880] =	vst v63  }
0x87: {  	s8 =	simm.s32 @!p6 $0x2;
	s6 =	simm.s32 @p1 $0xD0  }
0x88: {  	[tilespmem:s30], [sflag:$0x1] =	stream.indirect.gather @p1 [hbm4b:s5+s2], $0x80, s6, s2, $0xb8;
	[tilespmem:$0x1F880] =	vst v63  }
0x89: {  	_ =	swait.ge @!p6 [sflag:s8], $0x3400  }
0x8a: {  	[sflag:s8] =	ssyncset.done @!p6 $0x0  }
0x8b: {  	s15 =	simm.s32 @p1 $0x2;
	[sflag:s8] =	ssyncadd.s32 @!p6 $0xFFFFCC00  }
0x8c: {  	_ =	swait.ge @p1 [sflag:s15], $0x3400  }
0x8d: {  	[sflag:s15] =	ssyncset.done @p1 $0x0  }
0x8e: {  	s23 =	simm.s32 $0x2800;
	[sflag:s15] =	ssyncadd.s32 @p1 $0xFFFFCC00  }
0x8f: {  	[spmem:s3] =	stream.indirect.scatter.add.f32 [tilespmem:s29], [sflag:$0x4], $0x80, s23, s28, $0xb8;
	[tilespmem:$0x1F880] =	vst v63  }
0x90: {  	s7 =	simm.s32 $0x400;
	_ =	swait.ge [sflag:s22], $0x3400  }
0x91: {  	s16 =	simm.s32 $0x800;
	s6 =	simm.s32 $0x138;
	[sflag:s22] =	ssyncset.done $0x0  }
.LBB2_8:
0x92: {  	[sflag:s22] =	ssyncadd.s32 $0xFFFFCC00;
	s17 =	smov.u32 s16;
	s16 =	sadd.s32 $0x400, s16  }
0x93: {  	[tilespmem:s31], [sflag:$0x2] =	stream.indirect.gather @!p6 [hbm4b:s1+s14], $0x80, s6, s14, $0xb8;
	[tilespmem:$0x1F880] =	vst v63  }
0x94: {  	p3 =	sne.s32 s16, $0xBC00  }
0x95: {  	[tilespmem:s0], [sflag:$0x2] =	stream.indirect.gather @p1 [hbm4b:s5+s2], $0x80, s6, s2, $0xb8;
	[tilespmem:$0x1F880] =	vst v63  }
0x96: {  	_ =	swait.ge @!p6 [sflag:s13], $0x3400  }
0x97: {  	[sflag:s13] =	ssyncset.done @!p6 $0x0  }
0x98: {  	[sflag:s13] =	ssyncadd.s32 @!p6 $0xFFFFCC00  }
0x99: {  	_ =	swait.ge @p1 [sflag:s9], $0x3400  }
0x9a: {  	s23 =	sshra.s32 s7, $0x2;
	s7 =	smov.u32 s17;
	[sflag:s9] =	ssyncset.done @p1 $0x0  }
0x9b: {  	s17 =	sadd.s32 $0x2780, s23;
	[sflag:s9] =	ssyncadd.s32 @p1 $0xFFFFCC00  }
0x9c: {  	[spmem:s3] =	stream.indirect.scatter.add.f32 [tilespmem:s24], [sflag:$0x4], $0x80, s17, s28, $0xb8;
	[tilespmem:$0x1F880] =	vst v63  }
0x9d: {  	_ =	swait.ge [sflag:s22], $0x3400  }
0x9e: {  	[sflag:s22] =	ssyncset.done $0x0  }
0x9f: {  	s17 =	sadd.s32 @!p6 $0x68, s6;
	[sflag:s22] =	ssyncadd.s32 $0xFFFFCC00  }
0xa0: {  	[tilespmem:s12], [sflag:$0x1] =	stream.indirect.gather @!p6 [hbm4b:s1+s14], $0x80, s17, s14, $0xb8;
	[tilespmem:$0x1F880] =	vst v63  }
0xa1: {  	s17 =	sadd.s32 @p1 $0x68, s6  }
0xa2: {  	[tilespmem:s30], [sflag:$0x1] =	stream.indirect.gather @p1 [hbm4b:s5+s2], $0x80, s17, s2, $0xb8;
	[tilespmem:$0x1F880] =	vst v63  }
0xa3: {  	_ =	swait.ge @!p6 [sflag:s8], $0x3400  }
0xa4: {  	[sflag:s8] =	ssyncset.done @!p6 $0x0  }
0xa5: {  	[sflag:s8] =	ssyncadd.s32 @!p6 $0xFFFFCC00  }
0xa6: {  	_ =	swait.ge @p1 [sflag:s15], $0x3400  }
.Ltmp5:
0xa7: {  	[sflag:s15] =	ssyncset.done @p1 $0x0;
	(pc) =	sbr.rel @p3 .LBB2_8-.Ltmp5, $4  }
0xa8: {  	s17 =	sadd.s32 $0x2800, s23;
	[sflag:s15] =	ssyncadd.s32 @p1 $0xFFFFCC00  }
0xa9: {  	[spmem:s3] =	stream.indirect.scatter.add.f32 [tilespmem:s29], [sflag:$0x4], $0x80, s17, s28, $0xb8;
	[tilespmem:$0x1F880] =	vst v63  }
0xaa: {  	_ =	swait.ge [sflag:s22], $0x3400  }
0xab: {  	s6 =	sadd.s32 $0xD0, s6;
	[sflag:s22] =	ssyncset.done $0x0  }
0xac: {  	s8 =	simm.s32 @!p6 $0x8C00;
	[sflag:s22] =	ssyncadd.s32 $0xFFFFCC00  }
0xad: {  	[tilespmem:s8], [sflag:$0x2] =	stream.indirect.gather @!p6 [hbm4b:s1+s14], $0x80, s6, s14, $0xb8;
	[tilespmem:$0x1F880] =	vst v63  }
0xae: {  	s0 =	simm.s32 @p1 $0x8C00;
	s9 =	simm.s32 @!p6 $0x1  }
0xaf: {  	[tilespmem:s0], [sflag:$0x2] =	stream.indirect.gather @p1 [hbm4b:s5+s2], $0x80, s6, s2, $0xb8;
	[tilespmem:$0x1F880] =	vst v63  }
0xb0: {  	_ =	swait.ge @!p6 [sflag:s9], $0x3400  }
0xb1: {  	[sflag:s9] =	ssyncset.done @!p6 $0x0  }
0xb2: {  	s13 =	simm.s32 @p1 $0x1;
	[sflag:s9] =	ssyncadd.s32 @!p6 $0xFFFFCC00  }
0xb3: {  	_ =	swait.ge @p1 [sflag:s13], $0x3400  }
0xb4: {  	s7 =	sshra.s32 s7, $0x2;
	[sflag:s13] =	ssyncset.done @p1 $0x0  }
0xb5: {  	s15 =	sadd.s32 $0x2780, s7;
	[sflag:s13] =	ssyncadd.s32 @p1 $0xFFFFCC00  }
0xb6: {  	[spmem:s3] =	stream.indirect.scatter.add.f32 [tilespmem:s24], [sflag:$0x4], $0x80, s15, s28, $0xb8;
	[tilespmem:$0x1F880] =	vst v63  }
0xb7: {  	_ =	swait.ge [sflag:s22], $0x3400  }
0xb8: {  	[sflag:s22] =	ssyncset.done $0x0  }
0xb9: {  	s15 =	sadd.s32 @!p6 $0x68, s6;
	[sflag:s22] =	ssyncadd.s32 $0xFFFFCC00  }
0xba: {  	[tilespmem:s12], [sflag:$0x1] =	stream.indirect.gather @!p6 [hbm4b:s1+s14], $0x80, s15, s14, $0xb8;
	[tilespmem:$0x1F880] =	vst v63  }
0xbb: {  	s6 =	sadd.s32 @p1 $0x68, s6;
	s12 =	simm.s32 @!p6 $0x2  }
0xbc: {  	[tilespmem:s30], [sflag:$0x1] =	stream.indirect.gather @p1 [hbm4b:s5+s2], $0x80, s6, s2, $0xb8;
	[tilespmem:$0x1F880] =	vst v63  }
0xbd: {  	_ =	swait.ge @!p6 [sflag:s12], $0x3400  }
0xbe: {  	[sflag:s12] =	ssyncset.done @!p6 $0x0  }
0xbf: {  	s2 =	simm.s32 @p1 $0x2;
	[sflag:s12] =	ssyncadd.s32 @!p6 $0xFFFFCC00  }
0xc0: {  	_ =	swait.ge @p1 [sflag:s2], $0x3400  }
0xc1: {  	[sflag:s2] =	ssyncset.done @p1 $0x0  }
0xc2: {  	s17 =	sadd.s32 $0x2800, s7;
	[sflag:s2] =	ssyncadd.s32 @p1 $0xFFFFCC00  }
0xc3: {  	[spmem:s3] =	stream.indirect.scatter.add.f32 [tilespmem:s29], [sflag:$0x4], $0x80, s17, s28, $0xb8;
	[tilespmem:$0x1F880] =	vst v63  }
0xc4: {  	_ =	swait.ge [sflag:s22], $0x3400  }
0xc5: {  	[sflag:s22] =	ssyncset.done $0x0  }
0xc6: {  	s7 =	simm.s32 @!p6 $0x2698;
	s6 =	simm.s32 @!p6 $0x68;
	[sflag:s22] =	ssyncadd.s32 $0xFFFFCC00  }
0xc7: {  	[tilespmem:s8], [sflag:$0x2] =	stream.indirect.gather @!p6 [hbm4b:s1+s6], $0x80, s7, s6, $0xb8;
	[tilespmem:$0x1F880] =	vst v63  }
0xc8: {  	s6 =	simm.s32 @p1 $0x68;
	s7 =	simm.s32 @p1 $0x2698  }
0xc9: {  	[tilespmem:s0], [sflag:$0x2] =	stream.indirect.gather @p1 [hbm4b:s5+s6], $0x80, s7, s6, $0xb8;
	[tilespmem:$0x1F880] =	vst v63  }
0xca: {  	_ =	swait.ge @!p6 [sflag:s9], $0x3400  }
0xcb: {  	[sflag:s9] =	ssyncset.done @!p6 $0x0  }
0xcc: {  	[sflag:s9] =	ssyncadd.s32 @!p6 $0xFFFFCC00  }
0xcd: {  	_ =	swait.ge @p1 [sflag:s13], $0x3400  }
0xce: {  	[sflag:s13] =	ssyncset.done @p1 $0x0  }
0xcf: {  	s23 =	simm.s32 $0x5680;
	[sflag:s13] =	ssyncadd.s32 @p1 $0xFFFFCC00  }
0xd0: {  	[spmem:s3] =	stream.indirect.scatter.add.f32 [tilespmem:s24], [sflag:$0x4], $0x80, s23, s28, $0xb8;
	[tilespmem:$0x1F880] =	vst v63  }
0xd1: {  	_ =	swait.ge [sflag:s22], $0x3400  }
0xd2: {  	[sflag:s22] =	ssyncset.done $0x0  }
0xd3: {  	[sflag:s22] =	ssyncadd.s32 $0xFFFFCC00  }
0xd4: {  	_ =	swait.ge @!p6 [sflag:s12], $0x3400  }
0xd5: {  	[sflag:s12] =	ssyncset.done @!p6 $0x0  }
0xd6: {  	[sflag:s12] =	ssyncadd.s32 @!p6 $0xFFFFCC00  }
0xd7: {  	_ =	swait.ge @p1 [sflag:s2], $0x3400  }
0xd8: {  	[sflag:s2] =	ssyncset.done @p1 $0x0  }
0xd9: {  	s30 =	simm.s32 $0x5700;
	[sflag:s2] =	ssyncadd.s32 @p1 $0xFFFFCC00  }
0xda: {  	[spmem:s3] =	stream.indirect.scatter.add.f32 [tilespmem:s29], [sflag:$0x4], $0x80, s30, s28, $0xb8;
	[tilespmem:$0x1F880] =	vst v63  }
0xdb: {  	_ =	swait.ge [sflag:s22], $0x3400  }
0xdc: {  	[sflag:s22] =	ssyncset.done $0x0  }
0xdd: {  	s6 =	simm.s32 @!p6 $0x10;
	s7 =	simm.s32 @!p6 $0x2700;
	[sflag:s22] =	ssyncadd.s32 $0xFFFFCC00  }
0xde: {  	[tilespmem:s8], [sflag:$0x2] =	stream.indirect.gather @!p6 [hbm4b:s1+s6], $0x80, s7, s6, $0xb8;
	[tilespmem:$0x1F880] =	vst v63  }
0xdf: {  	_ =	swait.ge @!p6 [sflag:s12], $0x800  }
0xe0: {  	[sflag:s12] =	ssyncset.done @!p6 $0x0  }
0xe1: {  	s6 =	simm.s32 @p1 $0x10;
	s7 =	simm.s32 @p1 $0x2700;
	[sflag:s12] =	ssyncadd.s32 @!p6 $0xFFFFF800  }
0xe2: {  	[tilespmem:s0], [sflag:$0x2] =	stream.indirect.gather @p1 [hbm4b:s5+s6], $0x80, s7, s6, $0xb8;
	[tilespmem:$0x1F880] =	vst v63  }
0xe3: {  	_ =	swait.ge @p1 [sflag:s2], $0x800  }
0xe4: {  	[sflag:s2] =	ssyncset.done @p1 $0x0  }
0xe5: {  	s31 =	simm.s32 $0x10;
	s7 =	simm.s32 $0x5780;
	[sflag:s2] =	ssyncadd.s32 @p1 $0xFFFFF800  }
0xe6: {  	[spmem:s3] =	stream.indirect.scatter.add.f32 [tilespmem:s29], [sflag:$0x4], $0x80, s7, s31, $0xb8;
	[tilespmem:$0x1F880] =	vst v63  }
.Ltmp6:
0xe7: {  	_ =	swait.ge [sflag:s22], $0x800;
	(pc) =	sbr.rel @!p2 .LBB2_13-.Ltmp6, $3  }
0xe8: {  	[sflag:s22] =	ssyncset.done $0x0  }
0xe9: {  	[sflag:s22] =	ssyncadd.s32 $0xFFFFF800  }
0xea: {  	[bflag:$0x0] =	sbarrier.arrive $0xFFFF;
	_ =	sdelay $0x1  }
0xeb: {  	s0 =	stileid.u32  }
0xec: {  	s2 =	sshrl.u32 s11, $0x3;
	s0 =	sshll.u32 s0, $0x6  }
.Ltmp7:
0xed: {  	s6 =	rddreg [dreg:$0x9];
	s0 =	sor.u32 $0x1C04, s0;
	(pc) =	sbr.rel .LBB2_11-.Ltmp7, $4  }
0xee: {  	[hbm:s6], [sflag:s0] =	dma.local [spmem:s2], $0x2700  }
0xef: {  	_ =	swait.ge [sflag:s22], $0x2700  }
0xf0: {  	[sflag:s22] =	ssyncset.done $0x0  }
0xf1: {  	[sflag:s22] =	ssyncadd.s32 $0xFFFFD900  }
.LBB2_13:
0xf2: {  	s0 =	sld [smem:$0x7FD];
	_ =	sdelay $0x2  }
0xf3: {  	p3 =	seq.s32 s0, $0x1  }
.Ltmp8:
0xf4: {  	_ = 	snop;
	(pc) =	sbr.rel @p3 .LBB2_14-.Ltmp8, $1  }
0xf5: {  	_ =	sdelay $0x3  }
.LBB2_11:
.Ltmp9:
0xf6: {  	(pc) =	sbr.rel @!p4 .LBB2_15-.Ltmp9, $1  }
0xf7: {  	_ =	sdelay $0x3  }
0xf8: {  	s0 =	stileid.u32  }
0xf9: {  	s2 =	sshrl.u32 s11, $0x3;
	s0 =	sshll.u32 s0, $0x6  }
.Ltmp10:
0xfa: {  	s6 =	rddreg [dreg:$0xb];
	s0 =	sor.u32 $0x1C04, s0;
	(pc) =	sbr.rel .LBB2_16-.Ltmp10, $4  }
0xfb: {  	[hbm:s6], [sflag:s0] =	dma.local [spmem:s2], $0x2700  }
0xfc: {  	_ =	swait.ge [sflag:s22], $0x2700  }
0xfd: {  	[sflag:s22] =	ssyncset.done $0x0  }
0xfe: {  	[sflag:s22] =	ssyncadd.s32 $0xFFFFD900  }
.LBB2_17:
0xff: {  	_ =	sfence.sel $0x180000  }
0x100: {  	[bflag:$0x0] =	sbarrier.arrive $0xFFFF  }
0x101: {  	_ =	strace $0x9000004A  }
0x102: {  	s0 =	stileid.u32;
	[bflag:$0x2] =	sbarrier.arrive $0xFFFF  }
0x103: {  	p0 =	sne.s32 s0, $0x0;
	s0 =	rddreg [dreg:$0x3]  }
0x104: {  	s0 =	sadd.s32 @!p0 $0x100000, s0  }
0x105: {  	[sflag:s0] =	ssyncadd.tile.s32 @!p0 $0x1;
	_ =	shalt  }
.Lfunc_end2:
_tile_overlayer_lowered:
.L_overlay_start_2:
0x106: {  	(tag) =	ssettag $0x2  }
0x107: {  	s0 =	rddreg [dreg:$0x0];
	s2 =	stileid.u32  }
0x108: {  	s1 =	rddreg [dreg:$0x1];
	p0 =	sne.s32 s2, $0x0  }
0x109: {  	s3 =	rddreg [dreg:$0x2];
	[bflag:$0x3] =	sbarrier.arrive $0xFFFF;
	s2 =	simm.s32 @!p0 $0x1C04  }
0x10a: {  	[timem:s3], [sflag:s2] =	dma.local @!p0 [hbm:s0], s1  }
0x10b: {  	s0 =	simm.s32 @!p0 $0x4  }
0x10c: {  	_ =	swait.ge @!p0 [sflag:s0], s1  }
0x10d: {  	s1 =	ssub.s32 @!p0 $0x0, s1;
	[sflag:s0] =	ssyncset.done @!p0 $0x0  }
0x10e: {  	[sflag:s0] =	ssyncadd.s32 @!p0 s1  }
0x10f: {  	[bflag:$0x3] =	sbarrier.arrive $0xFFFF  }
0x110: {  	_ =	shalt  }

</sc_bundles>
